<compile_context>
chip_gen: v7x
topology: tpu7x:2x2x1
jax: 0.10.2.dev20260603
libtpu: 0.0.44.dev20260713+nightly
codegen_flags: <defaults>
</compile_context>

<pallas_src>
import functools

import jax
import jax.numpy as jnp
from jax import lax
from jax.experimental import pallas as pl
from jax.experimental.pallas import tpu as pltpu

N_IN = 1000
N_PAD = 1024
NMS_N = 512
NMS_REAL = 500
OUT_PAD = 128
OUT_REAL = 100
H = 112
D = H * H
KB = 1792
KSTEPS = 7
SIGMA = 2.0

F32 = jnp.float32
I32 = jnp.int32


def _sort_body(s_row_ref, s_col_ref, l_row_ref, idx_ref, ss_ref, ls_ref):
    s_row = s_row_ref[...]
    s_col = s_col_ref[...]
    l_row = l_row_ref[...]

    jj = lax.broadcasted_iota(I32, (N_PAD, N_PAD), 0)
    ii = lax.broadcasted_iota(I32, (N_PAD, N_PAD), 1)
    gt = (s_col > s_row).astype(I32)
    tie = ((s_col == s_row) & (jj < ii)).astype(I32)
    rank_row = jnp.sum(gt + tie, axis=0, keepdims=True)

    rr = lax.broadcasted_iota(I32, (NMS_N, N_PAD), 0)
    onehot = (rr == jnp.broadcast_to(rank_row, (NMS_N, N_PAD))).astype(I32)
    col_i = lax.broadcasted_iota(I32, (NMS_N, N_PAD), 1)

    idx_ref[...] = jnp.sum(onehot * col_i, axis=1, keepdims=True)
    s_bcast = jnp.broadcast_to(s_row, (NMS_N, N_PAD))
    ss_ref[...] = jnp.sum(
        jnp.where(onehot == 1, s_bcast, jnp.zeros_like(s_bcast)),
        axis=1, keepdims=True)
    ls_ref[...] = jnp.sum(onehot * l_row, axis=1, keepdims=True)


def _run_sort(scores_p, labels_p):
    return pl.pallas_call(
        _sort_body,
        out_shape=[
            jax.ShapeDtypeStruct((NMS_N, 1), I32),
            jax.ShapeDtypeStruct((NMS_N, 1), F32),
            jax.ShapeDtypeStruct((NMS_N, 1), I32),
        ],
    )(scores_p.reshape(1, N_PAD), scores_p.reshape(N_PAD, 1),
      labels_p.reshape(1, N_PAD))


@functools.lru_cache(maxsize=None)
def _make_sc_gather(n_rows, rows_per_tile, chunk, n_buf, width=D):
    from jax.experimental.pallas import tpu_sc as plsc

    mesh = plsc.VectorSubcoreMesh(core_axis_name="c", subcore_axis_name="s")
    n_tiles = n_rows // rows_per_tile
    n_chunks = rows_per_tile // chunk

    @functools.partial(
        pl.kernel,
        mesh=mesh,
        out_type=jax.ShapeDtypeStruct((n_rows, width), F32),
        scratch_types=[
            pltpu.VMEM((n_chunks, 8), I32),
            *([pltpu.VMEM((chunk, width), F32)] * n_buf),
            *([pltpu.SemaphoreType.DMA] * n_buf),
            *([pltpu.SemaphoreType.DMA] * n_buf),
        ],
    )
    def gather_k(masks_hbm, idx_hbm, out_hbm, idx_v, *bufs_sems):
        bufs = bufs_sems[:n_buf]
        gsems = bufs_sems[n_buf:2 * n_buf]
        ssems = bufs_sems[2 * n_buf:]
        wid = lax.axis_index("s") * 2 + lax.axis_index("c")

        @pl.when(wid < n_tiles)
        def _():
            base = wid * rows_per_tile
            pltpu.sync_copy(idx_hbm.at[wid], idx_v)

            def gather_start(c, b):
                return pltpu.make_async_copy(
                    masks_hbm.at[idx_v.at[c, pl.ds(0, chunk)]],
                    bufs[b], gsems[b])

            def scatter_start(c, b):
                return pltpu.make_async_copy(
                    bufs[b], out_hbm.at[pl.ds(base + c * chunk, chunk)],
                    ssems[b])

            for c in range(min(n_buf, n_chunks)):
                gather_start(c, c).start()
            for c in range(n_chunks):
                b = c % n_buf
                gather_start(c, b).wait()
                scatter_start(c, b).start()
                nxt = c + n_buf
                if nxt < n_chunks:
                    scatter_start(c, b).wait()
                    gather_start(nxt, b).start()
            for c in range(max(0, n_chunks - n_buf), n_chunks):
                scatter_start(c, c % n_buf).wait()

    return gather_k


def _nms_body(ss_col_ref, ss_row_ref, ls_col_ref, ls_row_ref, si_row_ref,
              y_ref, sf_ref, lf_ref, kf_ref, inter_ref, acol_ref, arow_ref):
    k = pl.program_id(0)

    @pl.when(k == 0)
    def _():
        inter_ref[...] = jnp.zeros_like(inter_ref)
        acol_ref[...] = jnp.zeros_like(acol_ref)
        arow_ref[...] = jnp.zeros_like(arow_ref)

    y = y_ref[...]
    nt = (((1,), (1,)), ((), ()))
    ones_row = jnp.ones((1, KB), F32)
    inter_ref[...] += lax.dot_general(y, y, nt, preferred_element_type=F32)
    acol_ref[...] += lax.dot_general(y, ones_row, nt,
                                     preferred_element_type=F32)
    arow_ref[...] += lax.dot_general(ones_row, y, nt,
                                     preferred_element_type=F32)

    @pl.when(k == KSTEPS - 1)
    def _():
        n = NMS_N
        inter = inter_ref[...]
        a_col = acol_ref[...]
        a_row = arow_ref[...]
        ls_col = ls_col_ref[...]
        ls_row = ls_row_ref[...]
        ss_col = ss_col_ref[...]
        ss_row = ss_row_ref[...]

        ii = lax.broadcasted_iota(I32, (n, n), 0)
        jj = lax.broadcasted_iota(I32, (n, n), 1)
        iou = inter / (a_col + a_row - inter)
        label_eq = ls_col == ls_row
        zero = jnp.zeros((n, n), F32)
        d = jnp.where((ii < jj) & label_eq & (jj < NMS_REAL), iou, zero)
        d_t = d.T

        c_row = jnp.max(d, axis=0, keepdims=True)
        c_col = jnp.max(d_t, axis=1, keepdims=True)

        neg = jnp.full((n, n), -jnp.inf, F32)
        e = jnp.where(ii < NMS_REAL, d * d - c_col * c_col, neg)
        e_t = jnp.where(jj < NMS_REAL, d_t * d_t - c_row * c_row, neg)
        max_e_row = jnp.max(e, axis=0, keepdims=True)
        max_e_col = jnp.max(e_t, axis=1, keepdims=True)

        iota_row = lax.broadcasted_iota(I32, (1, n), 1)
        iota_col = lax.broadcasted_iota(I32, (n, 1), 0)
        su_row = jnp.where(iota_row < NMS_REAL,
                           ss_row * jnp.exp(-SIGMA * max_e_row),
                           jnp.full((1, n), -1.0, F32))
        su_col = jnp.where(iota_col < NMS_REAL,
                           ss_col * jnp.exp(-SIGMA * max_e_col),
                           jnp.full((n, 1), -1.0, F32))

        gt2 = (su_col > su_row).astype(I32)
        tie2 = ((su_col == su_row) & (ii < jj)).astype(I32)
        rank2_row = jnp.sum(gt2 + tie2, axis=0, keepdims=True)

        rr = lax.broadcasted_iota(I32, (OUT_PAD, n), 0)
        onehot = (rr == jnp.broadcast_to(rank2_row, (OUT_PAD, n))).astype(I32)
        sf_ref[...] = jnp.sum(onehot.astype(F32) * su_row, axis=1,
                              keepdims=True)
        lf_ref[...] = jnp.sum(onehot * ls_row, axis=1, keepdims=True)
        kf_ref[...] = jnp.sum(onehot * si_row_ref[...], axis=1, keepdims=True)


def _run_nms(ss, ls, si, flat_s):
    vec_spec = pl.BlockSpec((NMS_N, 1), lambda k: (0, 0))
    row_spec = pl.BlockSpec((1, NMS_N), lambda k: (0, 0))
    out_spec = pl.BlockSpec((OUT_PAD, 1), lambda k: (0, 0))
    return pl.pallas_call(
        _nms_body,
        grid=(KSTEPS,),
        in_specs=[vec_spec, row_spec, vec_spec, row_spec, row_spec,
                  pl.BlockSpec((NMS_N, KB), lambda k: (0, k))],
        out_specs=[out_spec, out_spec, out_spec],
        out_shape=[
            jax.ShapeDtypeStruct((OUT_PAD, 1), F32),
            jax.ShapeDtypeStruct((OUT_PAD, 1), I32),
            jax.ShapeDtypeStruct((OUT_PAD, 1), I32),
        ],
        scratch_shapes=[
            pltpu.VMEM((NMS_N, NMS_N), F32),
            pltpu.VMEM((NMS_N, 1), F32),
            pltpu.VMEM((1, NMS_N), F32),
        ],
    )(ss.reshape(NMS_N, 1), ss.reshape(1, NMS_N),
      ls.reshape(NMS_N, 1), ls.reshape(1, NMS_N),
      si.reshape(1, NMS_N), flat_s)


def _pad_idx(idx, rows_per_tile, chunk):
    n = idx.shape[0]
    rows = idx.reshape(n // chunk, chunk)
    rows = jnp.pad(rows, ((0, 0), (0, 8 - chunk)))
    return rows.reshape(n // rows_per_tile, rows_per_tile // chunk, 8)


@jax.jit
def kernel(masks, labels, scores):
    mflat = masks.reshape(N_IN, D)
    s_p = jnp.pad(scores, (0, N_PAD - N_IN), constant_values=-jnp.inf)
    l_p = jnp.pad(labels, (0, N_PAD - N_IN))

    si, ss, ls = _run_sort(s_p, l_p)
    si_p = _pad_idx(si.reshape(NMS_N), 16, 4)
    flat_s = _make_sc_gather(NMS_N, 16, 4, 2)(mflat, si_p)
    sf, lf, kf = _run_nms(ss, ls, si, flat_s)
    kf_flat = kf.reshape(OUT_PAD)
    m_out = _make_sc_gather(OUT_PAD, 4, 4, 1)(mflat, _pad_idx(kf_flat, 4, 4))

    return (sf[:OUT_REAL, 0], lf[:OUT_REAL, 0],
            m_out[:OUT_REAL].reshape(OUT_REAL, H, H), kf_flat[:OUT_REAL])

# --- scband reference (transcript-rebuilt; emitter-appended) ---
"""Pipeline reference for scband-simple-solov2-63891933495889 (READ-ONLY COPY).

The authoritative reference and input builder live on the scoring server;
editing this copy changes nothing except your own understanding.
"""

import jax, jax.numpy as jnp
import numpy as np

NMS_PRE = 500
MAX_NUM = 100
SIGMA = 2.0


def setup_inputs(seed: int = 0) -> dict:
    key = jax.random.key(seed)
    k1, k2, k3 = jax.random.split(key, 3)
    masks = jax.random.uniform(k1, (1000, 112, 112), dtype=jnp.float32)
    scores = jax.random.uniform(k2, (1000,), dtype=jnp.float32)
    labels = jax.random.randint(k3, (1000,), 0, 80, dtype=jnp.int32)
    return {"masks": masks, "labels": labels, "scores": scores}


def reference(masks, labels, scores):
    # mask_matrix_nms (SOLOv2 Matrix NMS), gaussian kernel, filter_thr=-1
    mask_area = masks.sum(axis=(1, 2)).astype(jnp.float32)
    sort_inds = jnp.argsort(-scores)
    sort_inds = sort_inds[:NMS_PRE]
    keep_inds = sort_inds
    scores_s = scores[sort_inds]
    masks_s = masks[sort_inds]
    mask_area_s = mask_area[sort_inds]
    labels_s = labels[sort_inds]
    n = NMS_PRE
    flat = masks_s.reshape(n, -1).astype(jnp.float32)
    inter = flat @ flat.T
    ea = jnp.broadcast_to(mask_area_s[None, :], (n, n))
    iou = jnp.triu(inter / (ea + ea.T - inter), k=1)
    el = jnp.broadcast_to(labels_s[None, :], (n, n))
    label_m = jnp.triu((el == el.T).astype(jnp.float32), k=1)
    decay_iou = iou * label_m
    compensate_iou = decay_iou.max(axis=0)
    compensate_iou = jnp.broadcast_to(compensate_iou[None, :], (n, n)).T
    decay_matrix = jnp.exp(-SIGMA * decay_iou ** 2)
    compensate_matrix = jnp.exp(-SIGMA * compensate_iou ** 2)
    decay_coefficient = (decay_matrix / compensate_matrix).min(axis=0)
    scores_upd = scores_s * decay_coefficient
    sort2 = jnp.argsort(-scores_upd)
    sort2 = sort2[:MAX_NUM]
    keep_inds = keep_inds[sort2]
    scores_f = scores_upd[sort2]
    masks_f = masks_s[sort2]
    labels_f = labels_s[sort2]
    return scores_f, labels_f, masks_f, keep_inds

if __name__ == "__main__":
    import jax
    _d = setup_inputs()
    print(jax.jit(kernel)(*tuple(_d.values())))

</pallas_src>

<mosaic_0001>
#map = affine_map<(d0, d1) -> (0, 0)>
#map1 = affine_map<(d0, d1) -> (0, 0, 0)>
module attributes {stable_mosaic.version = 14 : i64} {
  func.func @gather_k(%arg0: i32, %arg1: i32, %arg2: memref<1000x12544xf32, #tpu.memory_space<hbm>>, %arg3: memref<32x1x8xi32, #tpu.memory_space<hbm>>, %arg4: memref<128x12544xf32, #tpu.memory_space<hbm>>, %arg5: memref<1x8xi32, #tpu.memory_space<vmem>>, %arg6: memref<4x12544xf32, #tpu.memory_space<vmem>>, %arg7: memref<!tpu.dma_semaphore, #tpu.memory_space<semaphore_mem>>, %arg8: memref<!tpu.dma_semaphore, #tpu.memory_space<semaphore_mem>>) attributes {dimension_semantics = [#tpu.dimension_semantics<core_parallel>, #tpu.dimension_semantics<subcore_parallel>], iteration_bounds = array<i64: 2, 16>, scalar_prefetch = 0 : i64, scratch_operands = 4 : i64, tpu.core_type = #tpu.core_type<sc_vector_subcore>, window_params = [{transform_indices = #map}, {transform_indices = #map1}, {transform_indices = #map}]} {
    %mul3A = arith.constant 2 : i32
    %mul3A_0 = arith.muli %arg1, %mul3A : i32
    %add3A = arith.addi %mul3A_0, %arg0 : i32
    %lt3A = arith.constant 32 : i32
    %lt3A_1 = arith.cmpi slt, %add3A, %lt3A : i32
    %convert_element_type3A = arith.extui %lt3A_1 : i1 to i32
    %cond3A = arith.constant 0 : i32
    %cond3A_2 = arith.cmpi ne, %convert_element_type3A, %cond3A : i32
    scf.if %cond3A_2 {
      %mul3A_3 = arith.constant 4 : i32
      %mul3A_4 = arith.muli %add3A, %mul3A_3 : i32
      "tpu.region"() ({
        %run_scoped3A = tpu.sem_alloc : memref<!tpu.dma_semaphore, #tpu.memory_space<semaphore_mem>>
        %dma_start3A_29 = arith.constant 0 : i32
        %dma_start3A_30 = arith.constant 0 : i32
        %dma_start3A_31 = tpu.memref_slice %arg3[%add3A, %dma_start3A_29, %dma_start3A_30] : memref<32x1x8xi32, #tpu.memory_space<hbm>> -> memref<1x1x8xi32, #tpu.memory_space<hbm>>
        %dma_start3A_32 = tpu.memref_squeeze %dma_start3A_31 : memref<1x1x8xi32, #tpu.memory_space<hbm>> -> memref<1x8xi32, #tpu.memory_space<hbm>>
        %dma_start3A_33 = arith.constant 0 : i32
        %dma_start3A_34 = arith.constant 0 : i32
        %dma_start3A_35 = tpu.memref_slice %arg3[%add3A, %dma_start3A_33, %dma_start3A_34] : memref<32x1x8xi32, #tpu.memory_space<hbm>> -> memref<1x1x8xi32, #tpu.memory_space<hbm>>
        %dma_start3A_36 = tpu.memref_squeeze %dma_start3A_35 : memref<1x1x8xi32, #tpu.memory_space<hbm>> -> memref<1x8xi32, #tpu.memory_space<hbm>>
        tpu.enqueue_dma source(%dma_start3A_36 : memref<1x8xi32, #tpu.memory_space<hbm>>) target(%arg5 : memref<1x8xi32, #tpu.memory_space<vmem>>) target_semaphore(%run_scoped3A : memref<!tpu.dma_semaphore, #tpu.memory_space<semaphore_mem>>)
        %dma_wait3A_37 = arith.constant 0 : i32
        %dma_wait3A_38 = arith.constant 0 : i32
        %dma_wait3A_39 = tpu.memref_slice %arg3[%add3A, %dma_wait3A_37, %dma_wait3A_38] : memref<32x1x8xi32, #tpu.memory_space<hbm>> -> memref<1x1x8xi32, #tpu.memory_space<hbm>>
        %dma_wait3A_40 = tpu.memref_squeeze %dma_wait3A_39 : memref<1x1x8xi32, #tpu.memory_space<hbm>> -> memref<1x8xi32, #tpu.memory_space<hbm>>
        %dma_wait3A_41 = arith.constant 0 : i32
        %dma_wait3A_42 = arith.constant 0 : i32
        %dma_wait3A_43 = tpu.memref_slice %arg3[%add3A, %dma_wait3A_41, %dma_wait3A_42] : memref<32x1x8xi32, #tpu.memory_space<hbm>> -> memref<1x1x8xi32, #tpu.memory_space<hbm>>
        %dma_wait3A_44 = tpu.memref_squeeze %dma_wait3A_43 : memref<1x1x8xi32, #tpu.memory_space<hbm>> -> memref<1x8xi32, #tpu.memory_space<hbm>>
        tpu.wait_dma2 semaphore(%run_scoped3A : memref<!tpu.dma_semaphore, #tpu.memory_space<semaphore_mem>>) src(%dma_wait3A_44 : memref<1x8xi32, #tpu.memory_space<hbm>>) dst(%arg5 : memref<1x8xi32, #tpu.memory_space<vmem>>)
        tpu.yield
      }) : () -> ()
      %dma_start3A = arith.constant 0 : i32
      %dma_start3A_5 = arith.constant 0 : i32
      %dma_start3A_6 = tpu.memref_slice %arg5[%dma_start3A, %dma_start3A_5] : memref<1x8xi32, #tpu.memory_space<vmem>> -> memref<1x4xi32, #tpu.memory_space<vmem>>
      %dma_start3A_7 = tpu.memref_squeeze %dma_start3A_6 : memref<1x4xi32, #tpu.memory_space<vmem>> -> memref<4xi32, #tpu.memory_space<vmem>>
      %dma_start3A_8 = arith.constant 0 : i32
      %dma_start3A_9 = arith.constant 0 : i32
      %dma_start3A_10 = tpu.memref_slice %arg2[%dma_start3A_8, %dma_start3A_9] : memref<1000x12544xf32, #tpu.memory_space<hbm>> -> memref<1000x12544xf32, #tpu.memory_space<hbm>>
      tpu.enqueue_indirect_dma source(%dma_start3A_10 : memref<1000x12544xf32, #tpu.memory_space<hbm>>) target(%arg6 : memref<4x12544xf32, #tpu.memory_space<vmem>>) offsets(%dma_start3A_7 : memref<4xi32, #tpu.memory_space<vmem>>) semaphore(%arg7 : memref<!tpu.dma_semaphore, #tpu.memory_space<semaphore_mem>>)
      %dma_wait3A = arith.constant 0 : i32
      %dma_wait3A_11 = arith.constant 0 : i32
      %dma_wait3A_12 = tpu.memref_slice %arg5[%dma_wait3A, %dma_wait3A_11] : memref<1x8xi32, #tpu.memory_space<vmem>> -> memref<1x4xi32, #tpu.memory_space<vmem>>
      %dma_wait3A_13 = tpu.memref_squeeze %dma_wait3A_12 : memref<1x4xi32, #tpu.memory_space<vmem>> -> memref<4xi32, #tpu.memory_space<vmem>>
      %dma_wait3A_14 = arith.constant 0 : i32
      %dma_wait3A_15 = arith.constant 0 : i32
      %dma_wait3A_16 = tpu.memref_slice %arg2[%dma_wait3A_14, %dma_wait3A_15] : memref<1000x12544xf32, #tpu.memory_space<hbm>> -> memref<1000x12544xf32, #tpu.memory_space<hbm>>
      tpu.wait_indirect_dma semaphore(%arg7 : memref<!tpu.dma_semaphore, #tpu.memory_space<semaphore_mem>>) src(%dma_wait3A_16 : memref<1000x12544xf32, #tpu.memory_space<hbm>>) dst(%arg6 : memref<4x12544xf32, #tpu.memory_space<vmem>>)
      %add3A_17 = arith.constant 0 : i32
      %add3A_18 = arith.addi %mul3A_4, %add3A_17 : i32
      %dma_start3A_19 = arith.constant 0 : i32
      %dma_start3A_20 = tpu.memref_slice %arg4[%add3A_18, %dma_start3A_19] : memref<128x12544xf32, #tpu.memory_space<hbm>> -> memref<4x12544xf32, #tpu.memory_space<hbm>>
      %dma_start3A_21 = arith.constant 0 : i32
      %dma_start3A_22 = tpu.memref_slice %arg4[%add3A_18, %dma_start3A_21] : memref<128x12544xf32, #tpu.memory_space<hbm>> -> memref<4x12544xf32, #tpu.memory_space<hbm>>
      tpu.enqueue_dma source(%arg6 : memref<4x12544xf32, #tpu.memory_space<vmem>>) target(%dma_start3A_22 : memref<4x12544xf32, #tpu.memory_space<hbm>>) target_semaphore(%arg8 : memref<!tpu.dma_semaphore, #tpu.memory_space<semaphore_mem>>)
      %add3A_23 = arith.constant 0 : i32
      %add3A_24 = arith.addi %mul3A_4, %add3A_23 : i32
      %dma_wait3A_25 = arith.constant 0 : i32
      %dma_wait3A_26 = tpu.memref_slice %arg4[%add3A_24, %dma_wait3A_25] : memref<128x12544xf32, #tpu.memory_space<hbm>> -> memref<4x12544xf32, #tpu.memory_space<hbm>>
      %dma_wait3A_27 = arith.constant 0 : i32
      %dma_wait3A_28 = tpu.memref_slice %arg4[%add3A_24, %dma_wait3A_27] : memref<128x12544xf32, #tpu.memory_space<hbm>> -> memref<4x12544xf32, #tpu.memory_space<hbm>>
      tpu.wait_dma2 semaphore(%arg8 : memref<!tpu.dma_semaphore, #tpu.memory_space<semaphore_mem>>) src(%arg6 : memref<4x12544xf32, #tpu.memory_space<vmem>>) dst(%dma_wait3A_28 : memref<4x12544xf32, #tpu.memory_space<hbm>>)
    } else {
    }
    return
  }
}

#map = affine_map<(d0, d1) -> (0, 0)>
#map1 = affine_map<(d0, d1) -> (0, 0, 0)>
module attributes {stable_mosaic.version = 14 : i64} {
  func.func @gather_k(%arg0: i32, %arg1: i32, %arg2: memref<1000x12544xf32, #tpu.memory_space<hbm>>, %arg3: memref<32x4x8xi32, #tpu.memory_space<hbm>>, %arg4: memref<512x12544xf32, #tpu.memory_space<hbm>>, %arg5: memref<4x8xi32, #tpu.memory_space<vmem>>, %arg6: memref<4x12544xf32, #tpu.memory_space<vmem>>, %arg7: memref<4x12544xf32, #tpu.memory_space<vmem>>, %arg8: memref<!tpu.dma_semaphore, #tpu.memory_space<semaphore_mem>>, %arg9: memref<!tpu.dma_semaphore, #tpu.memory_space<semaphore_mem>>, %arg10: memref<!tpu.dma_semaphore, #tpu.memory_space<semaphore_mem>>, %arg11: memref<!tpu.dma_semaphore, #tpu.memory_space<semaphore_mem>>) attributes {dimension_semantics = [#tpu.dimension_semantics<core_parallel>, #tpu.dimension_semantics<subcore_parallel>], iteration_bounds = array<i64: 2, 16>, scalar_prefetch = 0 : i64, scratch_operands = 7 : i64, tpu.core_type = #tpu.core_type<sc_vector_subcore>, window_params = [{transform_indices = #map}, {transform_indices = #map1}, {transform_indices = #map}]} {
    %mul3A = arith.constant 2 : i32
    %mul3A_0 = arith.muli %arg1, %mul3A : i32
    %add3A = arith.addi %mul3A_0, %arg0 : i32
    %lt3A = arith.constant 32 : i32
    %lt3A_1 = arith.cmpi slt, %add3A, %lt3A : i32
    %convert_element_type3A = arith.extui %lt3A_1 : i1 to i32
    %cond3A = arith.constant 0 : i32
    %cond3A_2 = arith.cmpi ne, %convert_element_type3A, %cond3A : i32
    scf.if %cond3A_2 {
      %mul3A_3 = arith.constant 16 : i32
      %mul3A_4 = arith.muli %add3A, %mul3A_3 : i32
      "tpu.region"() ({
        %run_scoped3A = tpu.sem_alloc : memref<!tpu.dma_semaphore, #tpu.memory_space<semaphore_mem>>
        %dma_start3A_107 = arith.constant 0 : i32
        %dma_start3A_108 = arith.constant 0 : i32
        %dma_start3A_109 = tpu.memref_slice %arg3[%add3A, %dma_start3A_107, %dma_start3A_108] : memref<32x4x8xi32, #tpu.memory_space<hbm>> -> memref<1x4x8xi32, #tpu.memory_space<hbm>>
        %dma_start3A_110 = tpu.memref_squeeze %dma_start3A_109 : memref<1x4x8xi32, #tpu.memory_space<hbm>> -> memref<4x8xi32, #tpu.memory_space<hbm>>
        %dma_start3A_111 = arith.constant 0 : i32
        %dma_start3A_112 = arith.constant 0 : i32
        %dma_start3A_113 = tpu.memref_slice %arg3[%add3A, %dma_start3A_111, %dma_start3A_112] : memref<32x4x8xi32, #tpu.memory_space<hbm>> -> memref<1x4x8xi32, #tpu.memory_space<hbm>>
        %dma_start3A_114 = tpu.memref_squeeze %dma_start3A_113 : memref<1x4x8xi32, #tpu.memory_space<hbm>> -> memref<4x8xi32, #tpu.memory_space<hbm>>
        tpu.enqueue_dma source(%dma_start3A_114 : memref<4x8xi32, #tpu.memory_space<hbm>>) target(%arg5 : memref<4x8xi32, #tpu.memory_space<vmem>>) target_semaphore(%run_scoped3A : memref<!tpu.dma_semaphore, #tpu.memory_space<semaphore_mem>>)
        %dma_wait3A_115 = arith.constant 0 : i32
        %dma_wait3A_116 = arith.constant 0 : i32
        %dma_wait3A_117 = tpu.memref_slice %arg3[%add3A, %dma_wait3A_115, %dma_wait3A_116] : memref<32x4x8xi32, #tpu.memory_space<hbm>> -> memref<1x4x8xi32, #tpu.memory_space<hbm>>
        %dma_wait3A_118 = tpu.memref_squeeze %dma_wait3A_117 : memref<1x4x8xi32, #tpu.memory_space<hbm>> -> memref<4x8xi32, #tpu.memory_space<hbm>>
        %dma_wait3A_119 = arith.constant 0 : i32
        %dma_wait3A_120 = arith.constant 0 : i32
        %dma_wait3A_121 = tpu.memref_slice %arg3[%add3A, %dma_wait3A_119, %dma_wait3A_120] : memref<32x4x8xi32, #tpu.memory_space<hbm>> -> memref<1x4x8xi32, #tpu.memory_space<hbm>>
        %dma_wait3A_122 = tpu.memref_squeeze %dma_wait3A_121 : memref<1x4x8xi32, #tpu.memory_space<hbm>> -> memref<4x8xi32, #tpu.memory_space<hbm>>
        tpu.wait_dma2 semaphore(%run_scoped3A : memref<!tpu.dma_semaphore, #tpu.memory_space<semaphore_mem>>) src(%dma_wait3A_122 : memref<4x8xi32, #tpu.memory_space<hbm>>) dst(%arg5 : memref<4x8xi32, #tpu.memory_space<vmem>>)
        tpu.yield
      }) : () -> ()
      %dma_start3A = arith.constant 0 : i32
      %dma_start3A_5 = arith.constant 0 : i32
      %dma_start3A_6 = tpu.memref_slice %arg5[%dma_start3A, %dma_start3A_5] : memref<4x8xi32, #tpu.memory_space<vmem>> -> memref<1x4xi32, #tpu.memory_space<vmem>>
      %dma_start3A_7 = tpu.memref_squeeze %dma_start3A_6 : memref<1x4xi32, #tpu.memory_space<vmem>> -> memref<4xi32, #tpu.memory_space<vmem>>
      %dma_start3A_8 = arith.constant 0 : i32
      %dma_start3A_9 = arith.constant 0 : i32
      %dma_start3A_10 = tpu.memref_slice %arg2[%dma_start3A_8, %dma_start3A_9] : memref<1000x12544xf32, #tpu.memory_space<hbm>> -> memref<1000x12544xf32, #tpu.memory_space<hbm>>
      tpu.enqueue_indirect_dma source(%dma_start3A_10 : memref<1000x12544xf32, #tpu.memory_space<hbm>>) target(%arg6 : memref<4x12544xf32, #tpu.memory_space<vmem>>) offsets(%dma_start3A_7 : memref<4xi32, #tpu.memory_space<vmem>>) semaphore(%arg8 : memref<!tpu.dma_semaphore, #tpu.memory_space<semaphore_mem>>)
      %dma_start3A_11 = arith.constant 1 : i32
      %dma_start3A_12 = arith.constant 0 : i32
      %dma_start3A_13 = tpu.memref_slice %arg5[%dma_start3A_11, %dma_start3A_12] : memref<4x8xi32, #tpu.memory_space<vmem>> -> memref<1x4xi32, #tpu.memory_space<vmem>>
      %dma_start3A_14 = tpu.memref_squeeze %dma_start3A_13 : memref<1x4xi32, #tpu.memory_space<vmem>> -> memref<4xi32, #tpu.memory_space<vmem>>
      %dma_start3A_15 = arith.constant 0 : i32
      %dma_start3A_16 = arith.constant 0 : i32
      %dma_start3A_17 = tpu.memref_slice %arg2[%dma_start3A_15, %dma_start3A_16] : memref<1000x12544xf32, #tpu.memory_space<hbm>> -> memref<1000x12544xf32, #tpu.memory_space<hbm>>
      tpu.enqueue_indirect_dma source(%dma_start3A_17 : memref<1000x12544xf32, #tpu.memory_space<hbm>>) target(%arg7 : memref<4x12544xf32, #tpu.memory_space<vmem>>) offsets(%dma_start3A_14 : memref<4xi32, #tpu.memory_space<vmem>>) semaphore(%arg9 : memref<!tpu.dma_semaphore, #tpu.memory_space<semaphore_mem>>)
      %dma_wait3A = arith.constant 0 : i32
      %dma_wait3A_18 = arith.constant 0 : i32
      %dma_wait3A_19 = tpu.memref_slice %arg5[%dma_wait3A, %dma_wait3A_18] : memref<4x8xi32, #tpu.memory_space<vmem>> -> memref<1x4xi32, #tpu.memory_space<vmem>>
      %dma_wait3A_20 = tpu.memref_squeeze %dma_wait3A_19 : memref<1x4xi32, #tpu.memory_space<vmem>> -> memref<4xi32, #tpu.memory_space<vmem>>
      %dma_wait3A_21 = arith.constant 0 : i32
      %dma_wait3A_22 = arith.constant 0 : i32
      %dma_wait3A_23 = tpu.memref_slice %arg2[%dma_wait3A_21, %dma_wait3A_22] : memref<1000x12544xf32, #tpu.memory_space<hbm>> -> memref<1000x12544xf32, #tpu.memory_space<hbm>>
      tpu.wait_indirect_dma semaphore(%arg8 : memref<!tpu.dma_semaphore, #tpu.memory_space<semaphore_mem>>) src(%dma_wait3A_23 : memref<1000x12544xf32, #tpu.memory_space<hbm>>) dst(%arg6 : memref<4x12544xf32, #tpu.memory_space<vmem>>)
      %add3A_24 = arith.constant 0 : i32
      %add3A_25 = arith.addi %mul3A_4, %add3A_24 : i32
      %dma_start3A_26 = arith.constant 0 : i32
      %dma_start3A_27 = tpu.memref_slice %arg4[%add3A_25, %dma_start3A_26] : memref<512x12544xf32, #tpu.memory_space<hbm>> -> memref<4x12544xf32, #tpu.memory_space<hbm>>
      %dma_start3A_28 = arith.constant 0 : i32
      %dma_start3A_29 = tpu.memref_slice %arg4[%add3A_25, %dma_start3A_28] : memref<512x12544xf32, #tpu.memory_space<hbm>> -> memref<4x12544xf32, #tpu.memory_space<hbm>>
      tpu.enqueue_dma source(%arg6 : memref<4x12544xf32, #tpu.memory_space<vmem>>) target(%dma_start3A_29 : memref<4x12544xf32, #tpu.memory_space<hbm>>) target_semaphore(%arg10 : memref<!tpu.dma_semaphore, #tpu.memory_space<semaphore_mem>>)
      %add3A_30 = arith.constant 0 : i32
      %add3A_31 = arith.addi %mul3A_4, %add3A_30 : i32
      %dma_wait3A_32 = arith.constant 0 : i32
      %dma_wait3A_33 = tpu.memref_slice %arg4[%add3A_31, %dma_wait3A_32] : memref<512x12544xf32, #tpu.memory_space<hbm>> -> memref<4x12544xf32, #tpu.memory_space<hbm>>
      %dma_wait3A_34 = arith.constant 0 : i32
      %dma_wait3A_35 = tpu.memref_slice %arg4[%add3A_31, %dma_wait3A_34] : memref<512x12544xf32, #tpu.memory_space<hbm>> -> memref<4x12544xf32, #tpu.memory_space<hbm>>
      tpu.wait_dma2 semaphore(%arg10 : memref<!tpu.dma_semaphore, #tpu.memory_space<semaphore_mem>>) src(%arg6 : memref<4x12544xf32, #tpu.memory_space<vmem>>) dst(%dma_wait3A_35 : memref<4x12544xf32, #tpu.memory_space<hbm>>)
      %dma_start3A_36 = arith.constant 2 : i32
      %dma_start3A_37 = arith.constant 0 : i32
      %dma_start3A_38 = tpu.memref_slice %arg5[%dma_start3A_36, %dma_start3A_37] : memref<4x8xi32, #tpu.memory_space<vmem>> -> memref<1x4xi32, #tpu.memory_space<vmem>>
      %dma_start3A_39 = tpu.memref_squeeze %dma_start3A_38 : memref<1x4xi32, #tpu.memory_space<vmem>> -> memref<4xi32, #tpu.memory_space<vmem>>
      %dma_start3A_40 = arith.constant 0 : i32
      %dma_start3A_41 = arith.constant 0 : i32
      %dma_start3A_42 = tpu.memref_slice %arg2[%dma_start3A_40, %dma_start3A_41] : memref<1000x12544xf32, #tpu.memory_space<hbm>> -> memref<1000x12544xf32, #tpu.memory_space<hbm>>
      tpu.enqueue_indirect_dma source(%dma_start3A_42 : memref<1000x12544xf32, #tpu.memory_space<hbm>>) target(%arg6 : memref<4x12544xf32, #tpu.memory_space<vmem>>) offsets(%dma_start3A_39 : memref<4xi32, #tpu.memory_space<vmem>>) semaphore(%arg8 : memref<!tpu.dma_semaphore, #tpu.memory_space<semaphore_mem>>)
      %dma_wait3A_43 = arith.constant 1 : i32
      %dma_wait3A_44 = arith.constant 0 : i32
      %dma_wait3A_45 = tpu.memref_slice %arg5[%dma_wait3A_43, %dma_wait3A_44] : memref<4x8xi32, #tpu.memory_space<vmem>> -> memref<1x4xi32, #tpu.memory_space<vmem>>
      %dma_wait3A_46 = tpu.memref_squeeze %dma_wait3A_45 : memref<1x4xi32, #tpu.memory_space<vmem>> -> memref<4xi32, #tpu.memory_space<vmem>>
      %dma_wait3A_47 = arith.constant 0 : i32
      %dma_wait3A_48 = arith.constant 0 : i32
      %dma_wait3A_49 = tpu.memref_slice %arg2[%dma_wait3A_47, %dma_wait3A_48] : memref<1000x12544xf32, #tpu.memory_space<hbm>> -> memref<1000x12544xf32, #tpu.memory_space<hbm>>
      tpu.wait_indirect_dma semaphore(%arg9 : memref<!tpu.dma_semaphore, #tpu.memory_space<semaphore_mem>>) src(%dma_wait3A_49 : memref<1000x12544xf32, #tpu.memory_space<hbm>>) dst(%arg7 : memref<4x12544xf32, #tpu.memory_space<vmem>>)
      %add3A_50 = arith.constant 4 : i32
      %add3A_51 = arith.addi %mul3A_4, %add3A_50 : i32
      %dma_start3A_52 = arith.constant 0 : i32
      %dma_start3A_53 = tpu.memref_slice %arg4[%add3A_51, %dma_start3A_52] : memref<512x12544xf32, #tpu.memory_space<hbm>> -> memref<4x12544xf32, #tpu.memory_space<hbm>>
      %dma_start3A_54 = arith.constant 0 : i32
      %dma_start3A_55 = tpu.memref_slice %arg4[%add3A_51, %dma_start3A_54] : memref<512x12544xf32, #tpu.memory_space<hbm>> -> memref<4x12544xf32, #tpu.memory_space<hbm>>
      tpu.enqueue_dma source(%arg7 : memref<4x12544xf32, #tpu.memory_space<vmem>>) target(%dma_start3A_55 : memref<4x12544xf32, #tpu.memory_space<hbm>>) target_semaphore(%arg11 : memref<!tpu.dma_semaphore, #tpu.memory_space<semaphore_mem>>)
      %add3A_56 = arith.constant 4 : i32
      %add3A_57 = arith.addi %mul3A_4, %add3A_56 : i32
      %dma_wait3A_58 = arith.constant 0 : i32
      %dma_wait3A_59 = tpu.memref_slice %arg4[%add3A_57, %dma_wait3A_58] : memref<512x12544xf32, #tpu.memory_space<hbm>> -> memref<4x12544xf32, #tpu.memory_space<hbm>>
      %dma_wait3A_60 = arith.constant 0 : i32
      %dma_wait3A_61 = tpu.memref_slice %arg4[%add3A_57, %dma_wait3A_60] : memref<512x12544xf32, #tpu.memory_space<hbm>> -> memref<4x12544xf32, #tpu.memory_space<hbm>>
      tpu.wait_dma2 semaphore(%arg11 : memref<!tpu.dma_semaphore, #tpu.memory_space<semaphore_mem>>) src(%arg7 : memref<4x12544xf32, #tpu.memory_space<vmem>>) dst(%dma_wait3A_61 : memref<4x12544xf32, #tpu.memory_space<hbm>>)
      %dma_start3A_62 = arith.constant 3 : i32
      %dma_start3A_63 = arith.constant 0 : i32
      %dma_start3A_64 = tpu.memref_slice %arg5[%dma_start3A_62, %dma_start3A_63] : memref<4x8xi32, #tpu.memory_space<vmem>> -> memref<1x4xi32, #tpu.memory_space<vmem>>
      %dma_start3A_65 = tpu.memref_squeeze %dma_start3A_64 : memref<1x4xi32, #tpu.memory_space<vmem>> -> memref<4xi32, #tpu.memory_space<vmem>>
      %dma_start3A_66 = arith.constant 0 : i32
      %dma_start3A_67 = arith.constant 0 : i32
      %dma_start3A_68 = tpu.memref_slice %arg2[%dma_start3A_66, %dma_start3A_67] : memref<1000x12544xf32, #tpu.memory_space<hbm>> -> memref<1000x12544xf32, #tpu.memory_space<hbm>>
      tpu.enqueue_indirect_dma source(%dma_start3A_68 : memref<1000x12544xf32, #tpu.memory_space<hbm>>) target(%arg7 : memref<4x12544xf32, #tpu.memory_space<vmem>>) offsets(%dma_start3A_65 : memref<4xi32, #tpu.memory_space<vmem>>) semaphore(%arg9 : memref<!tpu.dma_semaphore, #tpu.memory_space<semaphore_mem>>)
      %dma_wait3A_69 = arith.constant 2 : i32
      %dma_wait3A_70 = arith.constant 0 : i32
      %dma_wait3A_71 = tpu.memref_slice %arg5[%dma_wait3A_69, %dma_wait3A_70] : memref<4x8xi32, #tpu.memory_space<vmem>> -> memref<1x4xi32, #tpu.memory_space<vmem>>
      %dma_wait3A_72 = tpu.memref_squeeze %dma_wait3A_71 : memref<1x4xi32, #tpu.memory_space<vmem>> -> memref<4xi32, #tpu.memory_space<vmem>>
      %dma_wait3A_73 = arith.constant 0 : i32
      %dma_wait3A_74 = arith.constant 0 : i32
      %dma_wait3A_75 = tpu.memref_slice %arg2[%dma_wait3A_73, %dma_wait3A_74] : memref<1000x12544xf32, #tpu.memory_space<hbm>> -> memref<1000x12544xf32, #tpu.memory_space<hbm>>
      tpu.wait_indirect_dma semaphore(%arg8 : memref<!tpu.dma_semaphore, #tpu.memory_space<semaphore_mem>>) src(%dma_wait3A_75 : memref<1000x12544xf32, #tpu.memory_space<hbm>>) dst(%arg6 : memref<4x12544xf32, #tpu.memory_space<vmem>>)
      %add3A_76 = arith.constant 8 : i32
      %add3A_77 = arith.addi %mul3A_4, %add3A_76 : i32
      %dma_start3A_78 = arith.constant 0 : i32
      %dma_start3A_79 = tpu.memref_slice %arg4[%add3A_77, %dma_start3A_78] : memref<512x12544xf32, #tpu.memory_space<hbm>> -> memref<4x12544xf32, #tpu.memory_space<hbm>>
      %dma_start3A_80 = arith.constant 0 : i32
      %dma_start3A_81 = tpu.memref_slice %arg4[%add3A_77, %dma_start3A_80] : memref<512x12544xf32, #tpu.memory_space<hbm>> -> memref<4x12544xf32, #tpu.memory_space<hbm>>
      tpu.enqueue_dma source(%arg6 : memref<4x12544xf32, #tpu.memory_space<vmem>>) target(%dma_start3A_81 : memref<4x12544xf32, #tpu.memory_space<hbm>>) target_semaphore(%arg10 : memref<!tpu.dma_semaphore, #tpu.memory_space<semaphore_mem>>)
      %dma_wait3A_82 = arith.constant 3 : i32
      %dma_wait3A_83 = arith.constant 0 : i32
      %dma_wait3A_84 = tpu.memref_slice %arg5[%dma_wait3A_82, %dma_wait3A_83] : memref<4x8xi32, #tpu.memory_space<vmem>> -> memref<1x4xi32, #tpu.memory_space<vmem>>
      %dma_wait3A_85 = tpu.memref_squeeze %dma_wait3A_84 : memref<1x4xi32, #tpu.memory_space<vmem>> -> memref<4xi32, #tpu.memory_space<vmem>>
      %dma_wait3A_86 = arith.constant 0 : i32
      %dma_wait3A_87 = arith.constant 0 : i32
      %dma_wait3A_88 = tpu.memref_slice %arg2[%dma_wait3A_86, %dma_wait3A_87] : memref<1000x12544xf32, #tpu.memory_space<hbm>> -> memref<1000x12544xf32, #tpu.memory_space<hbm>>
      tpu.wait_indirect_dma semaphore(%arg9 : memref<!tpu.dma_semaphore, #tpu.memory_space<semaphore_mem>>) src(%dma_wait3A_88 : memref<1000x12544xf32, #tpu.memory_space<hbm>>) dst(%arg7 : memref<4x12544xf32, #tpu.memory_space<vmem>>)
      %add3A_89 = arith.constant 12 : i32
      %add3A_90 = arith.addi %mul3A_4, %add3A_89 : i32
      %dma_start3A_91 = arith.constant 0 : i32
      %dma_start3A_92 = tpu.memref_slice %arg4[%add3A_90, %dma_start3A_91] : memref<512x12544xf32, #tpu.memory_space<hbm>> -> memref<4x12544xf32, #tpu.memory_space<hbm>>
      %dma_start3A_93 = arith.constant 0 : i32
      %dma_start3A_94 = tpu.memref_slice %arg4[%add3A_90, %dma_start3A_93] : memref<512x12544xf32, #tpu.memory_space<hbm>> -> memref<4x12544xf32, #tpu.memory_space<hbm>>
      tpu.enqueue_dma source(%arg7 : memref<4x12544xf32, #tpu.memory_space<vmem>>) target(%dma_start3A_94 : memref<4x12544xf32, #tpu.memory_space<hbm>>) target_semaphore(%arg11 : memref<!tpu.dma_semaphore, #tpu.memory_space<semaphore_mem>>)
      %add3A_95 = arith.constant 8 : i32
      %add3A_96 = arith.addi %mul3A_4, %add3A_95 : i32
      %dma_wait3A_97 = arith.constant 0 : i32
      %dma_wait3A_98 = tpu.memref_slice %arg4[%add3A_96, %dma_wait3A_97] : memref<512x12544xf32, #tpu.memory_space<hbm>> -> memref<4x12544xf32, #tpu.memory_space<hbm>>
      %dma_wait3A_99 = arith.constant 0 : i32
      %dma_wait3A_100 = tpu.memref_slice %arg4[%add3A_96, %dma_wait3A_99] : memref<512x12544xf32, #tpu.memory_space<hbm>> -> memref<4x12544xf32, #tpu.memory_space<hbm>>
      tpu.wait_dma2 semaphore(%arg10 : memref<!tpu.dma_semaphore, #tpu.memory_space<semaphore_mem>>) src(%arg6 : memref<4x12544xf32, #tpu.memory_space<vmem>>) dst(%dma_wait3A_100 : memref<4x12544xf32, #tpu.memory_space<hbm>>)
      %add3A_101 = arith.constant 12 : i32
      %add3A_102 = arith.addi %mul3A_4, %add3A_101 : i32
      %dma_wait3A_103 = arith.constant 0 : i32
      %dma_wait3A_104 = tpu.memref_slice %arg4[%add3A_102, %dma_wait3A_103] : memref<512x12544xf32, #tpu.memory_space<hbm>> -> memref<4x12544xf32, #tpu.memory_space<hbm>>
      %dma_wait3A_105 = arith.constant 0 : i32
      %dma_wait3A_106 = tpu.memref_slice %arg4[%add3A_102, %dma_wait3A_105] : memref<512x12544xf32, #tpu.memory_space<hbm>> -> memref<4x12544xf32, #tpu.memory_space<hbm>>
      tpu.wait_dma2 semaphore(%arg11 : memref<!tpu.dma_semaphore, #tpu.memory_space<semaphore_mem>>) src(%arg7 : memref<4x12544xf32, #tpu.memory_space<vmem>>) dst(%dma_wait3A_106 : memref<4x12544xf32, #tpu.memory_space<hbm>>)
    } else {
    }
    return
  }
}

module attributes {stable_mosaic.version = 14 : i64} {
  func.func @_sort_body(%arg0: memref<1x1024xf32, #tpu.memory_space<vmem>>, %arg1: memref<1024x1xf32, #tpu.memory_space<vmem>>, %arg2: memref<1x1024xi32, #tpu.memory_space<vmem>>, %arg3: memref<512x1xi32, #tpu.memory_space<vmem>>, %arg4: memref<512x1xf32, #tpu.memory_space<vmem>>, %arg5: memref<512x1xi32, #tpu.memory_space<vmem>>) attributes {dimension_semantics = [], scalar_prefetch = 0 : i64, scratch_operands = 0 : i64, tpu.core_type = #tpu.core_type<tc>} {
    %get3A = arith.constant 0 : index
    %get3A_0 = arith.constant 0 : index
    %get3A_1 = vector.load %arg0[%get3A, %get3A_0] : memref<1x1024xf32, #tpu.memory_space<vmem>>, vector<1x1024xf32>
    %get3A_2 = arith.constant 0 : index
    %get3A_3 = arith.constant 0 : index
    %get3A_4 = vector.load %arg1[%get3A_2, %get3A_3] : memref<1024x1xf32, #tpu.memory_space<vmem>>, vector<1024x1xf32>
    %get3A_5 = arith.constant 0 : index
    %get3A_6 = arith.constant 0 : index
    %get3A_7 = vector.load %arg2[%get3A_5, %get3A_6] : memref<1x1024xi32, #tpu.memory_space<vmem>>, vector<1x1024xi32>
    %iota3A = tpu.iota {dimensions = array<i32: 0>} : vector<1024x1024xi32>
    %iota3A_8 = tpu.iota {dimensions = array<i32: 1>} : vector<1024x1024xi32>
    %gt3A = vector.broadcast %get3A_4 : vector<1024x1xf32> to vector<1024x1024xf32>
    %gt3A_9 = vector.broadcast %get3A_1 : vector<1x1024xf32> to vector<1024x1024xf32>
    %gt3A_10 = arith.cmpf ogt, %gt3A, %gt3A_9 : vector<1024x1024xf32>
    %convert_element_type3A = arith.extui %gt3A_10 : vector<1024x1024xi1> to vector<1024x1024xi32>
    %eq3A = vector.broadcast %get3A_4 : vector<1024x1xf32> to vector<1024x1024xf32>
    %eq3A_11 = vector.broadcast %get3A_1 : vector<1x1024xf32> to vector<1024x1024xf32>
    %eq3A_12 = arith.cmpf oeq, %eq3A, %eq3A_11 : vector<1024x1024xf32>
    %lt3A = arith.cmpi slt, %iota3A, %iota3A_8 : vector<1024x1024xi32>
    %and3A = arith.andi %eq3A_12, %lt3A : vector<1024x1024xi1>
    %convert_element_type3A_13 = arith.extui %and3A : vector<1024x1024xi1> to vector<1024x1024xi32>
    %add3A = arith.addi %convert_element_type3A, %convert_element_type3A_13 : vector<1024x1024xi32>
    %reduce_sum3A = arith.constant dense<0> : vector<1024xi32>
    %reduce_sum3A_14 = vector.multi_reduction <add>, %add3A, %reduce_sum3A [0] : vector<1024x1024xi32> to vector<1024xi32>
    %broadcast_in_dim3A = vector.shape_cast %reduce_sum3A_14 : vector<1024xi32> to vector<1x1024xi32>
    %iota3A_15 = tpu.iota {dimensions = array<i32: 0>} : vector<512x1024xi32>
    %broadcast_in_dim3A_16 = vector.shape_cast %broadcast_in_dim3A : vector<1x1024xi32> to vector<1x1024xi32>
    %broadcast_in_dim3A_17 = vector.broadcast %broadcast_in_dim3A_16 : vector<1x1024xi32> to vector<512x1024xi32>
    %eq3A_18 = arith.cmpi eq, %iota3A_15, %broadcast_in_dim3A_17 : vector<512x1024xi32>
    %convert_element_type3A_19 = arith.extui %eq3A_18 : vector<512x1024xi1> to vector<512x1024xi32>
    %iota3A_20 = tpu.iota {dimensions = array<i32: 1>} : vector<512x1024xi32>
    %mul3A = arith.muli %convert_element_type3A_19, %iota3A_20 : vector<512x1024xi32>
    %reduce_sum3A_21 = arith.constant dense<0> : vector<512xi32>
    %reduce_sum3A_22 = vector.multi_reduction <add>, %mul3A, %reduce_sum3A_21 [1] : vector<512x1024xi32> to vector<512xi32>
    %broadcast_in_dim3A_23 = vector.shape_cast %reduce_sum3A_22 : vector<512xi32> to vector<512x1xi32>
    %swap3A = arith.constant 0 : index
    %swap3A_24 = arith.constant 0 : index
    %swap3A_25 = vector.load %arg3[%swap3A, %swap3A_24] : memref<512x1xi32, #tpu.memory_space<vmem>>, vector<512x1xi32>
    tpu.vector_store %arg3[%swap3A, %swap3A_24], %broadcast_in_dim3A_23 {strides = array<i32>} : memref<512x1xi32, #tpu.memory_space<vmem>>, vector<512x1xi32>,
    %broadcast_in_dim3A_26 = vector.shape_cast %get3A_1 : vector<1x1024xf32> to vector<1x1024xf32>
    %broadcast_in_dim3A_27 = vector.broadcast %broadcast_in_dim3A_26 : vector<1x1024xf32> to vector<512x1024xf32>
    %eq3A_28 = arith.constant 1 : i32
    %eq3A_29 = vector.broadcast %eq3A_28 : i32 to vector<512x1024xi32>
    %eq3A_30 = arith.cmpi eq, %convert_element_type3A_19, %eq3A_29 : vector<512x1024xi32>
    %broadcast_in_dim3A_31 = arith.constant 0.000000e+00 : f32
    %broadcast_in_dim3A_32 = vector.broadcast %broadcast_in_dim3A_31 : f32 to vector<512x1024xf32>
    %select_n3A = arith.select %eq3A_30, %broadcast_in_dim3A_27, %broadcast_in_dim3A_32 : vector<512x1024xi1>, vector<512x1024xf32>
    %reduce_sum3A_33 = arith.constant dense<0.000000e+00> : vector<512xf32>
    %reduce_sum3A_34 = vector.multi_reduction <add>, %select_n3A, %reduce_sum3A_33 [1] : vector<512x1024xf32> to vector<512xf32>
    %broadcast_in_dim3A_35 = vector.shape_cast %reduce_sum3A_34 : vector<512xf32> to vector<512x1xf32>
    %swap3A_36 = arith.constant 0 : index
    %swap3A_37 = arith.constant 0 : index
    %swap3A_38 = vector.load %arg4[%swap3A_36, %swap3A_37] : memref<512x1xf32, #tpu.memory_space<vmem>>, vector<512x1xf32>
    tpu.vector_store %arg4[%swap3A_36, %swap3A_37], %broadcast_in_dim3A_35 {strides = array<i32>} : memref<512x1xf32, #tpu.memory_space<vmem>>, vector<512x1xf32>,
    %mul3A_39 = vector.broadcast %get3A_7 : vector<1x1024xi32> to vector<512x1024xi32>
    %mul3A_40 = arith.muli %convert_element_type3A_19, %mul3A_39 : vector<512x1024xi32>
    %reduce_sum3A_41 = arith.constant dense<0> : vector<512xi32>
    %reduce_sum3A_42 = vector.multi_reduction <add>, %mul3A_40, %reduce_sum3A_41 [1] : vector<512x1024xi32> to vector<512xi32>
    %broadcast_in_dim3A_43 = vector.shape_cast %reduce_sum3A_42 : vector<512xi32> to vector<512x1xi32>
    %swap3A_44 = arith.constant 0 : index
    %swap3A_45 = arith.constant 0 : index
    %swap3A_46 = vector.load %arg5[%swap3A_44, %swap3A_45] : memref<512x1xi32, #tpu.memory_space<vmem>>, vector<512x1xi32>
    tpu.vector_store %arg5[%swap3A_44, %swap3A_45], %broadcast_in_dim3A_43 {strides = array<i32>} : memref<512x1xi32, #tpu.memory_space<vmem>>, vector<512x1xi32>,
    return
  }
}

module attributes {stable_mosaic.version = 14 : i64} {
  func.func @_nms_body(%arg0: i32, %arg1: memref<512x1xf32, #tpu.memory_space<vmem>>, %arg2: memref<1x512xf32, #tpu.memory_space<vmem>>, %arg3: memref<512x1xi32, #tpu.memory_space<vmem>>, %arg4: memref<1x512xi32, #tpu.memory_space<vmem>>, %arg5: memref<1x512xi32, #tpu.memory_space<vmem>>, %arg6: memref<512x1792xf32, #tpu.memory_space<vmem>>, %arg7: memref<128x1xf32, #tpu.memory_space<vmem>>, %arg8: memref<128x1xi32, #tpu.memory_space<vmem>>, %arg9: memref<128x1xi32, #tpu.memory_space<vmem>>, %arg10: memref<512x512xf32, #tpu.memory_space<vmem>>, %arg11: memref<512x1xf32, #tpu.memory_space<vmem>>, %arg12: memref<1x512xf32, #tpu.memory_space<vmem>>) attributes {dimension_semantics = [#tpu.dimension_semantics<arbitrary>], iteration_bounds = array<i64: 7>, scalar_prefetch = 0 : i64, scratch_operands = 3 : i64, tpu.core_type = #tpu.core_type<tc>, window_params = [{pipeline_mode = #tpu.pipeline_mode<synchronous>, transform_indices = @transform_0, window_bounds = array<i64: 512, 1>}, {pipeline_mode = #tpu.pipeline_mode<synchronous>, transform_indices = @transform_1, window_bounds = array<i64: 1, 512>}, {pipeline_mode = #tpu.pipeline_mode<synchronous>, transform_indices = @transform_2, window_bounds = array<i64: 512, 1>}, {pipeline_mode = #tpu.pipeline_mode<synchronous>, transform_indices = @transform_3, window_bounds = array<i64: 1, 512>}, {pipeline_mode = #tpu.pipeline_mode<synchronous>, transform_indices = @transform_4, window_bounds = array<i64: 1, 512>}, {transform_indices = @transform_5, window_bounds = array<i64: 512, 1792>}, {pipeline_mode = #tpu.pipeline_mode<synchronous>, transform_indices = @transform_6, window_bounds = array<i64: 128, 1>}, {pipeline_mode = #tpu.pipeline_mode<synchronous>, transform_indices = @transform_7, window_bounds = array<i64: 128, 1>}, {pipeline_mode = #tpu.pipeline_mode<synchronous>, transform_indices = @transform_8, window_bounds = array<i64: 128, 1>}]} {
    %eq3A = arith.constant 0 : i32
    %eq3A_0 = arith.cmpi eq, %arg0, %eq3A : i32
    %convert_element_type3A = arith.extui %eq3A_0 : i1 to i32
    %cond3A = arith.constant 0 : i32
    %cond3A_1 = arith.cmpi ne, %convert_element_type3A, %cond3A : i32
    scf.if %cond3A_1 {
      %broadcast_in_dim3A_34 = arith.constant 0.000000e+00 : f32
      %broadcast_in_dim3A_35 = vector.broadcast %broadcast_in_dim3A_34 : f32 to vector<512x512xf32>
      %swap3A_36 = arith.constant 0 : index
      %swap3A_37 = arith.constant 0 : index
      %swap3A_38 = vector.load %arg10[%swap3A_36, %swap3A_37] : memref<512x512xf32, #tpu.memory_space<vmem>>, vector<512x512xf32>
      tpu.vector_store %arg10[%swap3A_36, %swap3A_37], %broadcast_in_dim3A_35 {strides = array<i32>} : memref<512x512xf32, #tpu.memory_space<vmem>>, vector<512x512xf32>,
      %broadcast_in_dim3A_39 = arith.constant 0.000000e+00 : f32
      %broadcast_in_dim3A_40 = vector.broadcast %broadcast_in_dim3A_39 : f32 to vector<512x1xf32>
      %swap3A_41 = arith.constant 0 : index
      %swap3A_42 = arith.constant 0 : index
      %swap3A_43 = vector.load %arg11[%swap3A_41, %swap3A_42] : memref<512x1xf32, #tpu.memory_space<vmem>>, vector<512x1xf32>
      tpu.vector_store %arg11[%swap3A_41, %swap3A_42], %broadcast_in_dim3A_40 {strides = array<i32>} : memref<512x1xf32, #tpu.memory_space<vmem>>, vector<512x1xf32>,
      %broadcast_in_dim3A_44 = arith.constant 0.000000e+00 : f32
      %broadcast_in_dim3A_45 = vector.broadcast %broadcast_in_dim3A_44 : f32 to vector<1x512xf32>
      %swap3A_46 = arith.constant 0 : index
      %swap3A_47 = arith.constant 0 : index
      %swap3A_48 = vector.load %arg12[%swap3A_46, %swap3A_47] : memref<1x512xf32, #tpu.memory_space<vmem>>, vector<1x512xf32>
      tpu.vector_store %arg12[%swap3A_46, %swap3A_47], %broadcast_in_dim3A_45 {strides = array<i32>} : memref<1x512xf32, #tpu.memory_space<vmem>>, vector<1x512xf32>,
    } else {
    }
    %get3A = arith.constant 0 : index
    %get3A_2 = arith.constant 0 : index
    %get3A_3 = vector.load %arg6[%get3A, %get3A_2] : memref<512x1792xf32, #tpu.memory_space<vmem>>, vector<512x1792xf32>
    %broadcast_in_dim3A = arith.constant 1.000000e+00 : f32
    %broadcast_in_dim3A_4 = vector.broadcast %broadcast_in_dim3A : f32 to vector<1x1792xf32>
    %get3A_5 = arith.constant 0 : index
    %get3A_6 = arith.constant 0 : index
    %get3A_7 = vector.load %arg10[%get3A_5, %get3A_6] : memref<512x512xf32, #tpu.memory_space<vmem>>, vector<512x512xf32>
    %dot_general3A = arith.constant dense<0.000000e+00> : vector<512x512xf32>
    %dot_general3A_8 = tpu.matmul %get3A_3, %get3A_3, %dot_general3A {dimension_numbers = #tpu.dot_dimension_numbers<[1], [1], [0], [0], [0, 0, 1, 0], [], []>, transpose_lhs_hint = false} : vector<512x1792xf32>, vector<512x1792xf32>, vector<512x512xf32> -> vector<512x512xf32>
    %add3A = arith.addf %get3A_7, %dot_general3A_8 : vector<512x512xf32>
    %swap3A = arith.constant 0 : index
    %swap3A_9 = arith.constant 0 : index
    %swap3A_10 = vector.load %arg10[%swap3A, %swap3A_9] : memref<512x512xf32, #tpu.memory_space<vmem>>, vector<512x512xf32>
    tpu.vector_store %arg10[%swap3A, %swap3A_9], %add3A {strides = array<i32>} : memref<512x512xf32, #tpu.memory_space<vmem>>, vector<512x512xf32>,
    %get3A_11 = arith.constant 0 : index
    %get3A_12 = arith.constant 0 : index
    %get3A_13 = vector.load %arg11[%get3A_11, %get3A_12] : memref<512x1xf32, #tpu.memory_space<vmem>>, vector<512x1xf32>
    %dot_general3A_14 = arith.constant dense<0.000000e+00> : vector<512x1xf32>
    %dot_general3A_15 = tpu.matmul %get3A_3, %broadcast_in_dim3A_4, %dot_general3A_14 {dimension_numbers = #tpu.dot_dimension_numbers<[1], [1], [0], [0], [0, 0, 1, 0], [], []>, transpose_lhs_hint = false} : vector<512x1792xf32>, vector<1x1792xf32>, vector<512x1xf32> -> vector<512x1xf32>
    %add3A_16 = arith.addf %get3A_13, %dot_general3A_15 : vector<512x1xf32>
    %swap3A_17 = arith.constant 0 : index
    %swap3A_18 = arith.constant 0 : index
    %swap3A_19 = vector.load %arg11[%swap3A_17, %swap3A_18] : memref<512x1xf32, #tpu.memory_space<vmem>>, vector<512x1xf32>
    tpu.vector_store %arg11[%swap3A_17, %swap3A_18], %add3A_16 {strides = array<i32>} : memref<512x1xf32, #tpu.memory_space<vmem>>, vector<512x1xf32>,
    %get3A_20 = arith.constant 0 : index
    %get3A_21 = arith.constant 0 : index
    %get3A_22 = vector.load %arg12[%get3A_20, %get3A_21] : memref<1x512xf32, #tpu.memory_space<vmem>>, vector<1x512xf32>
    %dot_general3A_23 = arith.constant dense<0.000000e+00> : vector<1x512xf32>
    %dot_general3A_24 = tpu.matmul %broadcast_in_dim3A_4, %get3A_3, %dot_general3A_23 {dimension_numbers = #tpu.dot_dimension_numbers<[1], [1], [0], [0], [0, 0, 1, 0], [], []>, transpose_lhs_hint = false} : vector<1x1792xf32>, vector<512x1792xf32>, vector<1x512xf32> -> vector<1x512xf32>
    %add3A_25 = arith.addf %get3A_22, %dot_general3A_24 : vector<1x512xf32>
    %swap3A_26 = arith.constant 0 : index
    %swap3A_27 = arith.constant 0 : index
    %swap3A_28 = vector.load %arg12[%swap3A_26, %swap3A_27] : memref<1x512xf32, #tpu.memory_space<vmem>>, vector<1x512xf32>
    tpu.vector_store %arg12[%swap3A_26, %swap3A_27], %add3A_25 {strides = array<i32>} : memref<1x512xf32, #tpu.memory_space<vmem>>, vector<1x512xf32>,
    %eq3A_29 = arith.constant 6 : i32
    %eq3A_30 = arith.cmpi eq, %arg0, %eq3A_29 : i32
    %convert_element_type3A_31 = arith.extui %eq3A_30 : i1 to i32
    %cond3A_32 = arith.constant 0 : i32
    %cond3A_33 = arith.cmpi ne, %convert_element_type3A_31, %cond3A_32 : i32
    scf.if %cond3A_33 {
      %get3A_34 = arith.constant 0 : index
      %get3A_35 = arith.constant 0 : index
      %get3A_36 = vector.load %arg10[%get3A_34, %get3A_35] : memref<512x512xf32, #tpu.memory_space<vmem>>, vector<512x512xf32>
      %get3A_37 = arith.constant 0 : index
      %get3A_38 = arith.constant 0 : index
      %get3A_39 = vector.load %arg11[%get3A_37, %get3A_38] : memref<512x1xf32, #tpu.memory_space<vmem>>, vector<512x1xf32>
      %get3A_40 = arith.constant 0 : index
      %get3A_41 = arith.constant 0 : index
      %get3A_42 = vector.load %arg12[%get3A_40, %get3A_41] : memref<1x512xf32, #tpu.memory_space<vmem>>, vector<1x512xf32>
      %get3A_43 = arith.constant 0 : index
      %get3A_44 = arith.constant 0 : index
      %get3A_45 = vector.load %arg3[%get3A_43, %get3A_44] : memref<512x1xi32, #tpu.memory_space<vmem>>, vector<512x1xi32>
      %get3A_46 = arith.constant 0 : index
      %get3A_47 = arith.constant 0 : index
      %get3A_48 = vector.load %arg4[%get3A_46, %get3A_47] : memref<1x512xi32, #tpu.memory_space<vmem>>, vector<1x512xi32>
      %get3A_49 = arith.constant 0 : index
      %get3A_50 = arith.constant 0 : index
      %get3A_51 = vector.load %arg1[%get3A_49, %get3A_50] : memref<512x1xf32, #tpu.memory_space<vmem>>, vector<512x1xf32>
      %get3A_52 = arith.constant 0 : index
      %get3A_53 = arith.constant 0 : index
      %get3A_54 = vector.load %arg2[%get3A_52, %get3A_53] : memref<1x512xf32, #tpu.memory_space<vmem>>, vector<1x512xf32>
      %iota3A = tpu.iota {dimensions = array<i32: 0>} : vector<512x512xi32>
      %iota3A_55 = tpu.iota {dimensions = array<i32: 1>} : vector<512x512xi32>
      %add3A_56 = vector.broadcast %get3A_39 : vector<512x1xf32> to vector<512x512xf32>
      %add3A_57 = vector.broadcast %get3A_42 : vector<1x512xf32> to vector<512x512xf32>
      %add3A_58 = arith.addf %add3A_56, %add3A_57 : vector<512x512xf32>
      %sub3A = arith.subf %add3A_58, %get3A_36 : vector<512x512xf32>
      %div3A = arith.divf %get3A_36, %sub3A : vector<512x512xf32>
      %eq3A_59 = vector.broadcast %get3A_45 : vector<512x1xi32> to vector<512x512xi32>
      %eq3A_60 = vector.broadcast %get3A_48 : vector<1x512xi32> to vector<512x512xi32>
      %eq3A_61 = arith.cmpi eq, %eq3A_59, %eq3A_60 : vector<512x512xi32>
      %broadcast_in_dim3A_62 = arith.constant 0.000000e+00 : f32
      %broadcast_in_dim3A_63 = vector.broadcast %broadcast_in_dim3A_62 : f32 to vector<512x512xf32>
      %lt3A = arith.cmpi slt, %iota3A, %iota3A_55 : vector<512x512xi32>
      %and3A = arith.andi %lt3A, %eq3A_61 : vector<512x512xi1>
      %lt3A_64 = arith.constant 500 : i32
      %lt3A_65 = vector.broadcast %lt3A_64 : i32 to vector<512x512xi32>
      %lt3A_66 = arith.cmpi slt, %iota3A_55, %lt3A_65 : vector<512x512xi32>
      %and3A_67 = arith.andi %and3A, %lt3A_66 : vector<512x512xi1>
      %select_n3A = arith.select %and3A_67, %div3A, %broadcast_in_dim3A_63 : vector<512x512xi1>, vector<512x512xf32>
      %transpose3A = tpu.transpose %select_n3A, [1, 0] : vector<512x512xf32> -> vector<512x512xf32>
      %reduce_max3A = arith.constant dense<0xFF800000> : vector<512xf32>
      %reduce_max3A_68 = vector.multi_reduction <maximumf>, %select_n3A, %reduce_max3A [0] : vector<512x512xf32> to vector<512xf32>
      %broadcast_in_dim3A_69 = vector.shape_cast %reduce_max3A_68 : vector<512xf32> to vector<1x512xf32>
      %reduce_max3A_70 = arith.constant dense<0xFF800000> : vector<512xf32>
      %reduce_max3A_71 = vector.multi_reduction <maximumf>, %transpose3A, %reduce_max3A_70 [1] : vector<512x512xf32> to vector<512xf32>
      %broadcast_in_dim3A_72 = vector.shape_cast %reduce_max3A_71 : vector<512xf32> to vector<512x1xf32>
      %broadcast_in_dim3A_73 = arith.constant 0xFF800000 : f32
      %broadcast_in_dim3A_74 = vector.broadcast %broadcast_in_dim3A_73 : f32 to vector<512x512xf32>
      %lt3A_75 = arith.constant 500 : i32
      %lt3A_76 = vector.broadcast %lt3A_75 : i32 to vector<512x512xi32>
      %lt3A_77 = arith.cmpi slt, %iota3A, %lt3A_76 : vector<512x512xi32>
      %mul3A = arith.mulf %select_n3A, %select_n3A : vector<512x512xf32>
      %mul3A_78 = arith.mulf %broadcast_in_dim3A_72, %broadcast_in_dim3A_72 : vector<512x1xf32>
      %sub3A_79 = vector.broadcast %mul3A_78 : vector<512x1xf32> to vector<512x512xf32>
      %sub3A_80 = arith.subf %mul3A, %sub3A_79 : vector<512x512xf32>
      %select_n3A_81 = arith.select %lt3A_77, %sub3A_80, %broadcast_in_dim3A_74 : vector<512x512xi1>, vector<512x512xf32>
      %lt3A_82 = arith.constant 500 : i32
      %lt3A_83 = vector.broadcast %lt3A_82 : i32 to vector<512x512xi32>
      %lt3A_84 = arith.cmpi slt, %iota3A_55, %lt3A_83 : vector<512x512xi32>
      %mul3A_85 = arith.mulf %transpose3A, %transpose3A : vector<512x512xf32>
      %mul3A_86 = arith.mulf %broadcast_in_dim3A_69, %broadcast_in_dim3A_69 : vector<1x512xf32>
      %sub3A_87 = vector.broadcast %mul3A_86 : vector<1x512xf32> to vector<512x512xf32>
      %sub3A_88 = arith.subf %mul3A_85, %sub3A_87 : vector<512x512xf32>
      %select_n3A_89 = arith.select %lt3A_84, %sub3A_88, %broadcast_in_dim3A_74 : vector<512x512xi1>, vector<512x512xf32>
      %reduce_max3A_90 = arith.constant dense<0xFF800000> : vector<512xf32>
      %reduce_max3A_91 = vector.multi_reduction <maximumf>, %select_n3A_81, %reduce_max3A_90 [0] : vector<512x512xf32> to vector<512xf32>
      %broadcast_in_dim3A_92 = vector.shape_cast %reduce_max3A_91 : vector<512xf32> to vector<1x512xf32>
      %reduce_max3A_93 = arith.constant dense<0xFF800000> : vector<512xf32>
      %reduce_max3A_94 = vector.multi_reduction <maximumf>, %select_n3A_89, %reduce_max3A_93 [1] : vector<512x512xf32> to vector<512xf32>
      %broadcast_in_dim3A_95 = vector.shape_cast %reduce_max3A_94 : vector<512xf32> to vector<512x1xf32>
      %iota3A_96 = tpu.iota {dimensions = array<i32: 1>} : vector<1x512xi32>
      %iota3A_97 = tpu.iota {dimensions = array<i32: 0>} : vector<512x1xi32>
      %lt3A_98 = arith.constant 500 : i32
      %lt3A_99 = vector.broadcast %lt3A_98 : i32 to vector<1x512xi32>
      %lt3A_100 = arith.cmpi slt, %iota3A_96, %lt3A_99 : vector<1x512xi32>
      %mul3A_101 = arith.constant -2.000000e+00 : f32
      %mul3A_102 = vector.broadcast %mul3A_101 : f32 to vector<1x512xf32>
      %mul3A_103 = arith.mulf %mul3A_102, %broadcast_in_dim3A_92 : vector<1x512xf32>
      %exp3A = math.exp %mul3A_103 : vector<1x512xf32>
      %mul3A_104 = arith.mulf %get3A_54, %exp3A : vector<1x512xf32>
      %broadcast_in_dim3A_105 = arith.constant -1.000000e+00 : f32
      %broadcast_in_dim3A_106 = vector.broadcast %broadcast_in_dim3A_105 : f32 to vector<1x512xf32>
      %select_n3A_107 = arith.select %lt3A_100, %mul3A_104, %broadcast_in_dim3A_106 : vector<1x512xi1>, vector<1x512xf32>
      %lt3A_108 = arith.constant 500 : i32
      %lt3A_109 = vector.broadcast %lt3A_108 : i32 to vector<512x1xi32>
      %lt3A_110 = arith.cmpi slt, %iota3A_97, %lt3A_109 : vector<512x1xi32>
      %mul3A_111 = arith.constant -2.000000e+00 : f32
      %mul3A_112 = vector.broadcast %mul3A_111 : f32 to vector<512x1xf32>
      %mul3A_113 = arith.mulf %mul3A_112, %broadcast_in_dim3A_95 : vector<512x1xf32>
      %exp3A_114 = math.exp %mul3A_113 : vector<512x1xf32>
      %mul3A_115 = arith.mulf %get3A_51, %exp3A_114 : vector<512x1xf32>
      %broadcast_in_dim3A_116 = arith.constant -1.000000e+00 : f32
      %broadcast_in_dim3A_117 = vector.broadcast %broadcast_in_dim3A_116 : f32 to vector<512x1xf32>
      %select_n3A_118 = arith.select %lt3A_110, %mul3A_115, %broadcast_in_dim3A_117 : vector<512x1xi1>, vector<512x1xf32>
      %gt3A = vector.broadcast %select_n3A_118 : vector<512x1xf32> to vector<512x512xf32>
      %gt3A_119 = vector.broadcast %select_n3A_107 : vector<1x512xf32> to vector<512x512xf32>
      %gt3A_120 = arith.cmpf ogt, %gt3A, %gt3A_119 : vector<512x512xf32>
      %convert_element_type3A_121 = arith.extui %gt3A_120 : vector<512x512xi1> to vector<512x512xi32>
      %eq3A_122 = vector.broadcast %select_n3A_118 : vector<512x1xf32> to vector<512x512xf32>
      %eq3A_123 = vector.broadcast %select_n3A_107 : vector<1x512xf32> to vector<512x512xf32>
      %eq3A_124 = arith.cmpf oeq, %eq3A_122, %eq3A_123 : vector<512x512xf32>
      %lt3A_125 = arith.cmpi slt, %iota3A, %iota3A_55 : vector<512x512xi32>
      %and3A_126 = arith.andi %eq3A_124, %lt3A_125 : vector<512x512xi1>
      %convert_element_type3A_127 = arith.extui %and3A_126 : vector<512x512xi1> to vector<512x512xi32>
      %add3A_128 = arith.addi %convert_element_type3A_121, %convert_element_type3A_127 : vector<512x512xi32>
      %reduce_sum3A = arith.constant dense<0> : vector<512xi32>
      %reduce_sum3A_129 = vector.multi_reduction <add>, %add3A_128, %reduce_sum3A [0] : vector<512x512xi32> to vector<512xi32>
      %broadcast_in_dim3A_130 = vector.shape_cast %reduce_sum3A_129 : vector<512xi32> to vector<1x512xi32>
      %iota3A_131 = tpu.iota {dimensions = array<i32: 0>} : vector<128x512xi32>
      %broadcast_in_dim3A_132 = vector.shape_cast %broadcast_in_dim3A_130 : vector<1x512xi32> to vector<1x512xi32>
      %broadcast_in_dim3A_133 = vector.broadcast %broadcast_in_dim3A_132 : vector<1x512xi32> to vector<128x512xi32>
      %eq3A_134 = arith.cmpi eq, %iota3A_131, %broadcast_in_dim3A_133 : vector<128x512xi32>
      %convert_element_type3A_135 = arith.extui %eq3A_134 : vector<128x512xi1> to vector<128x512xi32>
      %convert_element_type3A_136 = arith.sitofp %convert_element_type3A_135 : vector<128x512xi32> to vector<128x512xf32>
      %mul3A_137 = vector.broadcast %select_n3A_107 : vector<1x512xf32> to vector<128x512xf32>
      %mul3A_138 = arith.mulf %convert_element_type3A_136, %mul3A_137 : vector<128x512xf32>
      %reduce_sum3A_139 = arith.constant dense<0.000000e+00> : vector<128xf32>
      %reduce_sum3A_140 = vector.multi_reduction <add>, %mul3A_138, %reduce_sum3A_139 [1] : vector<128x512xf32> to vector<128xf32>
      %broadcast_in_dim3A_141 = vector.shape_cast %reduce_sum3A_140 : vector<128xf32> to vector<128x1xf32>
      %swap3A_142 = arith.constant 0 : index
      %swap3A_143 = arith.constant 0 : index
      %swap3A_144 = vector.load %arg7[%swap3A_142, %swap3A_143] : memref<128x1xf32, #tpu.memory_space<vmem>>, vector<128x1xf32>
      tpu.vector_store %arg7[%swap3A_142, %swap3A_143], %broadcast_in_dim3A_141 {strides = array<i32>} : memref<128x1xf32, #tpu.memory_space<vmem>>, vector<128x1xf32>,
      %mul3A_145 = vector.broadcast %get3A_48 : vector<1x512xi32> to vector<128x512xi32>
      %mul3A_146 = arith.muli %convert_element_type3A_135, %mul3A_145 : vector<128x512xi32>
      %reduce_sum3A_147 = arith.constant dense<0> : vector<128xi32>
      %reduce_sum3A_148 = vector.multi_reduction <add>, %mul3A_146, %reduce_sum3A_147 [1] : vector<128x512xi32> to vector<128xi32>
      %broadcast_in_dim3A_149 = vector.shape_cast %reduce_sum3A_148 : vector<128xi32> to vector<128x1xi32>
      %swap3A_150 = arith.constant 0 : index
      %swap3A_151 = arith.constant 0 : index
      %swap3A_152 = vector.load %arg8[%swap3A_150, %swap3A_151] : memref<128x1xi32, #tpu.memory_space<vmem>>, vector<128x1xi32>
      tpu.vector_store %arg8[%swap3A_150, %swap3A_151], %broadcast_in_dim3A_149 {strides = array<i32>} : memref<128x1xi32, #tpu.memory_space<vmem>>, vector<128x1xi32>,
      %get3A_153 = arith.constant 0 : index
      %get3A_154 = arith.constant 0 : index
      %get3A_155 = vector.load %arg5[%get3A_153, %get3A_154] : memref<1x512xi32, #tpu.memory_space<vmem>>, vector<1x512xi32>
      %mul3A_156 = vector.broadcast %get3A_155 : vector<1x512xi32> to vector<128x512xi32>
      %mul3A_157 = arith.muli %convert_element_type3A_135, %mul3A_156 : vector<128x512xi32>
      %reduce_sum3A_158 = arith.constant dense<0> : vector<128xi32>
      %reduce_sum3A_159 = vector.multi_reduction <add>, %mul3A_157, %reduce_sum3A_158 [1] : vector<128x512xi32> to vector<128xi32>
      %broadcast_in_dim3A_160 = vector.shape_cast %reduce_sum3A_159 : vector<128xi32> to vector<128x1xi32>
      %swap3A_161 = arith.constant 0 : index
      %swap3A_162 = arith.constant 0 : index
      %swap3A_163 = vector.load %arg9[%swap3A_161, %swap3A_162] : memref<128x1xi32, #tpu.memory_space<vmem>>, vector<128x1xi32>
      tpu.vector_store %arg9[%swap3A_161, %swap3A_162], %broadcast_in_dim3A_160 {strides = array<i32>} : memref<128x1xi32, #tpu.memory_space<vmem>>, vector<128x1xi32>,
    } else {
    }
    return
  }
  func.func @transform_0(%arg0: i32) -> (i32, i32) {
    %c0_i32 = arith.constant 0 : i32
    %c0_i32_0 = arith.constant 0 : i32
    %c0_i32_1 = arith.constant 0 : i32
    return %c0_i32, %c0_i32_0 : i32, i32
  }
  func.func @transform_1(%arg0: i32) -> (i32, i32) {
    %c0_i32 = arith.constant 0 : i32
    %c0_i32_0 = arith.constant 0 : i32
    %c0_i32_1 = arith.constant 0 : i32
    return %c0_i32, %c0_i32_0 : i32, i32
  }
  func.func @transform_2(%arg0: i32) -> (i32, i32) {
    %c0_i32 = arith.constant 0 : i32
    %c0_i32_0 = arith.constant 0 : i32
    %c0_i32_1 = arith.constant 0 : i32
    return %c0_i32, %c0_i32_0 : i32, i32
  }
  func.func @transform_3(%arg0: i32) -> (i32, i32) {
    %c0_i32 = arith.constant 0 : i32
    %c0_i32_0 = arith.constant 0 : i32
    %c0_i32_1 = arith.constant 0 : i32
    return %c0_i32, %c0_i32_0 : i32, i32
  }
  func.func @transform_4(%arg0: i32) -> (i32, i32) {
    %c0_i32 = arith.constant 0 : i32
    %c0_i32_0 = arith.constant 0 : i32
    %c0_i32_1 = arith.constant 0 : i32
    return %c0_i32, %c0_i32_0 : i32, i32
  }
  func.func @transform_5(%arg0: i32) -> (i32, i32) {
    %c0_i32 = arith.constant 0 : i32
    %c0_i32_0 = arith.constant 0 : i32
    return %c0_i32, %arg0 : i32, i32
  }
  func.func @transform_6(%arg0: i32) -> (i32, i32) {
    %c0_i32 = arith.constant 0 : i32
    %c0_i32_0 = arith.constant 0 : i32
    %c0_i32_1 = arith.constant 0 : i32
    return %c0_i32, %c0_i32_0 : i32, i32
  }
  func.func @transform_7(%arg0: i32) -> (i32, i32) {
    %c0_i32 = arith.constant 0 : i32
    %c0_i32_0 = arith.constant 0 : i32
    %c0_i32_1 = arith.constant 0 : i32
    return %c0_i32, %c0_i32_0 : i32, i32
  }
  func.func @transform_8(%arg0: i32) -> (i32, i32) {
    %c0_i32 = arith.constant 0 : i32
    %c0_i32_0 = arith.constant 0 : i32
    %c0_i32_1 = arith.constant 0 : i32
    return %c0_i32, %c0_i32_0 : i32, i32
  }
}

</mosaic_0001>

<sc_bundles>
// kernel: kernel.6.cloned.1.call-start
scs
__scs_entry_jumppad:
0x0: {  	(pc) =	sbr.rel $0x88, $3  }
0x1: {  	(tag) =	ssettag $0x0;
	lr =	simm.s32 $0x1  }
0x2: {  	[smem:$0x3F9E] =	sst lr;
	_ =	strace $0xD0000000  }
0x3: {  	_ = 	snop  }
0x4: {  	_ = 	snop  }
0x5: {  	_ = 	snop  }
0x6: {  	_ = 	snop  }
0x7: {  	_ = 	snop  }
__scs_overlays_trampoline_lowered:
0x8: {  	[smem:$0x3FAD] =	sst s0  }
0x9: {  	[smem:$0x3FAE] =	sst s1  }
0xa: {  	[smem:$0x3FAF] =	sst s2  }
0xb: {  	[smem:$0x3FB0] =	sst s3  }
0xc: {  	[smem:$0x3FB1] =	sst s4  }
0xd: {  	[smem:$0x3FB2] =	sst s5  }
0xe: {  	[smem:$0x3FB3] =	sst s6  }
0xf: {  	[smem:$0x3FB4] =	sst s7  }
0x10: {  	[smem:$0x3FB5] =	sst s8  }
0x11: {  	[smem:$0x3FB6] =	sst s9;
	s0 =	simm.s32 @!p0 $0x0  }
0x12: {  	s1 =	sld [smem:$0x3F9C];
	s0 =	simm.s32 @p0 $0x1  }
0x13: {  	[smem:$0x3FB7] =	sst s0;
	s0 =	simm.s32 @!p1 $0x0  }
0x14: {  	s2 =	sld [smem:$0x3F9B];
	s0 =	simm.s32 @p1 $0x1  }
0x15: {  	[smem:$0x3FB8] =	sst s0;
	s0 =	simm.s32 @!p2 $0x0  }
0x16: {  	s3 =	sld [smem:$0x3FDB];
	s0 =	simm.s32 @p2 $0x1  }
0x17: {  	s4 =	simm.s32 $0x1BF5;
	[smem:$0x3FBA] =	sst s0  }
0x18: {  	s0 =	sld [smem:$0x3F9D];
	_ =	swait.ge [sflag:s4], $0x0  }
0x19: {  	s7 =	sld [smem:$0x3F9E]  }
0x1a: {  	s8 =	sadd.s32 $0xFFFFE003, lr  }
0x1b: {  	s9 =	sadd.s32 $0xFFFFFEF7, lr;
	s5 =	simm.s32 $0xFFFFFFFF;
	p2 =	slt.u32 s8, $0xFFFFF086  }
0x1c: {  	p1 =	slt.u32 s9, $0xF7A;
	s5 =	simm.s32 @!p2 $0x0  }
0x1d: {  	s5 =	simm.s32 @p1 $0x1;
	p0 =	seq.s32 s7, s2  }
0x1e: {  	s7 =	smul.u32 @!p0 $0xF7A, s2;
	p2 =	seq.s32 @!p0 s5, $0x0  }
0x1f: {  	s9 =	smul.u32 $0xF7A, s1;
	s8 =	simm.s32 @!p0 $0x1BF5;
	p2 =	por !p2, p0  }
0x20: {  	[sflag:s8] =	ssyncset.s32 @!p0 $0xFFFFF086;
	s6 =	sadd.s32 @!p0 s3, s7;
	s7 =	simm.s32 @!p0 $0x108  }
0x21: {  	s3 =	sadd.s32 s3, s9;
	s6 =	sadd.s32 @!p0 $0x88, s6;
	s7 =	simm.s32 @p2 $0x1082  }
0x22: {  	[simem:s7], [sflag:s8] =	dma.local @!p0 [hbm:s6], $0xF7A  }
0x23: {  	s9 =	sor.u32 $0xD0000000, s2;
	s6 =	simm.s32 $0x108;
	_ =	swait.ge @!p0 [sflag:s8], $0x0  }
0x24: {  	s3 =	sadd.s32 $0x88, s3;
	s6 =	simm.s32 @!p1 $0x1082;
	[sflag:s4] =	ssyncset.s32 $0xFFFFF086  }
0x25: {  	[simem:s6], [sflag:s4] =	dma.local [hbm:s3], $0xF7A  }
0x26: {  	[smem:$0x3F9E] =	sst s1;
	(tag) =	ssettag s2;
	_ =	strace s9  }
0x27: {  	s1 =	sld [smem:$0x3FAE]  }
0x28: {  	s2 =	sld [smem:$0x3FAF]  }
0x29: {  	s4 =	sld [smem:$0x3FB1]  }
0x2a: {  	p0 =	seq.s32 s5, $0x0;
	s5 =	sld [smem:$0x3FB2]  }
0x2b: {  	s6 =	sld [smem:$0x3FB3]  }
0x2c: {  	s7 =	sld [smem:$0x3FB4]  }
0x2d: {  	s3 =	simm.s32 $0x108;
	s8 =	sld [smem:$0x3FB5]  }
0x2e: {  	s3 =	simm.s32 @!p0 $0x1082;
	s9 =	sld [smem:$0x3FB6]  }
0x2f: {  	lr =	sadd.s32 s0, s3;
	s0 =	sld [smem:$0x3FAD]  }
0x30: {  	s3 =	sld [smem:$0x3FB0]  }
0x31: {  	[smem:$0x3FB9] =	sst s10  }
0x32: {  	s10 =	sld [smem:$0x3FB7];
	_ =	sdelay $0x3  }
0x33: {  	p0 =	seq.s32 s10, $0x1;
	s10 =	sld [smem:$0x3FB9];
	_ =	sdelay $0x3  }
0x34: {  	[smem:$0x3FB9] =	sst s10  }
0x35: {  	s10 =	sld [smem:$0x3FB8];
	_ =	sdelay $0x3  }
0x36: {  	p1 =	seq.s32 s10, $0x1;
	s10 =	sld [smem:$0x3FB9];
	_ =	sdelay $0x3  }
0x37: {  	[smem:$0x3FB9] =	sst s10  }
0x38: {  	s10 =	sld [smem:$0x3FBA]  }
0x39: {  	_ = 	snop;
	(pc) =	sbr.ind lr, $3  }
0x3a: {  	_ = 	snop  }
0x3b: {  	_ = 	snop  }
0x3c: {  	p2 =	seq.s32 s10, $0x1;
	s10 =	sld [smem:$0x3FB9]  }
0x3d: {  	_ =	shalt  }
0x3e: {  	_ =	shalt  }
0x3f: {  	_ =	shalt  }
0x40: {  	_ =	shalt  }
0x41: {  	_ =	shalt  }
0x42: {  	_ =	shalt  }
0x43: {  	_ =	shalt  }
0x44: {  	_ =	shalt  }
0x45: {  	_ =	shalt  }
0x46: {  	_ =	shalt  }
0x47: {  	_ =	shalt  }
0x48: {  	_ =	shalt  }
0x49: {  	_ =	shalt  }
0x4a: {  	_ =	shalt  }
0x4b: {  	_ =	shalt  }
0x4c: {  	_ =	shalt  }
0x4d: {  	_ =	shalt  }
0x4e: {  	_ =	shalt  }
0x4f: {  	_ =	shalt  }
0x50: {  	_ =	shalt  }
0x51: {  	_ =	shalt  }
0x52: {  	_ =	shalt  }
0x53: {  	_ =	shalt  }
0x54: {  	_ =	shalt  }
0x55: {  	_ =	shalt  }
0x56: {  	_ =	shalt  }
0x57: {  	_ =	shalt  }
0x58: {  	_ =	shalt  }
0x59: {  	_ =	shalt  }
0x5a: {  	_ =	shalt  }
0x5b: {  	_ =	shalt  }
0x5c: {  	_ =	shalt  }
0x5d: {  	_ =	shalt  }
0x5e: {  	_ =	shalt  }
0x5f: {  	_ =	shalt  }
0x60: {  	_ =	shalt  }
0x61: {  	_ =	shalt  }
0x62: {  	_ =	shalt  }
0x63: {  	_ =	shalt  }
0x64: {  	_ =	shalt  }
0x65: {  	_ =	shalt  }
0x66: {  	_ =	shalt  }
0x67: {  	_ =	shalt  }
0x68: {  	_ =	shalt  }
0x69: {  	_ =	shalt  }
0x6a: {  	_ =	shalt  }
0x6b: {  	_ =	shalt  }
0x6c: {  	_ =	shalt  }
0x6d: {  	_ =	shalt  }
0x6e: {  	_ =	shalt  }
0x6f: {  	_ =	shalt  }
0x70: {  	_ =	shalt  }
0x71: {  	_ =	shalt  }
0x72: {  	_ =	shalt  }
0x73: {  	_ =	shalt  }
0x74: {  	_ =	shalt  }
0x75: {  	_ =	shalt  }
0x76: {  	_ =	shalt  }
0x77: {  	_ =	shalt  }
0x78: {  	_ =	shalt  }
0x79: {  	_ =	shalt  }
0x7a: {  	_ =	shalt  }
0x7b: {  	_ =	shalt  }
0x7c: {  	_ =	shalt  }
0x7d: {  	_ =	shalt  }
0x7e: {  	_ =	shalt  }
0x7f: {  	_ =	shalt  }
0x80: {  	_ =	shalt  }
0x81: {  	_ =	shalt  }
0x82: {  	_ =	shalt  }
0x83: {  	_ =	shalt  }
0x84: {  	_ =	shalt  }
0x85: {  	_ =	shalt  }
0x86: {  	_ =	shalt  }
0x87: {  	_ =	shalt  }
.Lfunc_end0:
.L_simem_size_0:
called_computation_lowered:
.L_overlay_start_0:
0x88: {  	s2 =	sld [smem:$0x3FD9]  }
0x89: {  	s3 =	sld [smem:$0x3FFE];
	_ =	sdelay $0x1  }
0x8a: {  	s1 =	srdreg.scid  }
0x8b: {  	s0 =	sand.u32 $0x1, s1  }
0x8c: {  	s14 =	sshll.u32 s0, $0xA;
	s2 =	sadd.s32 s3, s2  }
0x8d: {  	s2 =	sadd.s32 s2, s14  }
0x8e: {  	[smem:$0x3FC5] =	sst s2  }
0x8f: {  	_ = 	snop  }
0x90: {  	s2 =	sld [smem:$0x3FD0];
	_ =	sdelay $0x2  }
0x91: {  	s15 =	simm.s32 $0xA;
	s4 =	simm.s32 $0x10  }
0x92: {  	[smem:s4], [sflag:s15] =	dma.local [hbm:s2], $0x1  }
0x93: {  	_ =	swait.eq [sflag:s15], $0x1  }
0x94: {  	[sflag:s15] =	ssyncset.done $0x0  }
0x95: {  	[sflag:s15] =	ssyncadd.s32 $0xFFFFFFFF  }
0x96: {  	s16 =	sld [smem:$0x12];
	(tm) =	ssettm $0x1  }
0x97: {  	s17 =	sld [smem:$0x3FFB];
	_ =	sdelay $0x3  }
0x98: {  	_ =	strace s17  }
0x99: {  	s3 =	sld [smem:$0x3FFC];
	_ =	sdelay $0x3  }
0x9a: {  	_ =	strace s3  }
0x9b: {  	s3 =	sld [smem:$0x3FFD];
	_ =	sdelay $0x3  }
0x9c: {  	_ =	strace s3  }
0x9d: {  	_ =	strace $0x8FFFFFFF  }
0x9e: {  	s18 =	sld [smem:$0x3FDB];
	_ =	sdelay $0x1  }
0x9f: {  	s19 =	simm.s32 $_scs_section_size  }
0xa0: {  	s5 =	simm.s32 $_size__tile_overlayer_lowered;
	s6 =	simm.s32 $_tile_overlayer_lowered  }
0xa1: {  	s22 =	simm.s32 $0x1BFF;
	s21 =	sshll.u32 s6, $0x1;
	s3 =	sadd.s32 s19, s18  }
0xa2: {  	s7 =	simm.s32 $0x0;
	s20 =	sshll.u32 s5, $0x1;
	s5 =	sadd.s32 s21, s3  }
0xa3: {  	[timem:s7], [sflag:s22] =	dma.local [hbm:s5], s20  }
0xa4: {  	_ =	swait.ge [sflag:s22], s20  }
0xa5: {  	s4 =	ssub.s32 $0x0, s20;
	[sflag:s22] =	ssyncset.done $0x0  }
0xa6: {  	[sflag:s22] =	ssyncadd.s32 s4;
	_ =	sdelay $0x1  }
0xa7: {  	s23 =	simm.s32 $0x1B8B  }
0xa8: {  	_ =	swait.ge [sflag:s23], $0x1  }
0xa9: {  	[sflag:s23] =	ssyncset.done $0x0  }
0xaa: {  	s25 =	simm.s32 $0x1B8E;
	s24 =	sld [smem:$0x3FFE];
	[sflag:s23] =	ssyncadd.s32 $0xFFFFFFFF  }
0xab: {  	s26 =	simm.s32 $execute0_lowered;
	[smem:$0x3FD2] =	sst s25  }
0xac: {  	s5 =	sshll.u32 s26, $0x1;
	_ =	strace $0x80000046;
	[dreg:$0x1] =	wrdreg $0xFFFFFFFF  }
0xad: {  	s28 =	simm.s32 $_size_execute0_lowered;
	s3 =	sadd.s32 s3, s5;
	[dreg:$0x0] =	wrdreg $0x0  }
0xae: {  	s5 =	sshll.u32 s28, $0x1;
	[dreg:$0x2] =	wrdreg s3  }
0xaf: {  	[dreg:$0x3] =	wrdreg s5  }
0xb0: {  	[dreg:$0x4] =	wrdreg $0xC0  }
0xb1: {  	_ =	task [dreg:s7], $0x5FFFF  }
0xb2: {  	[dreg:$0x1] =	wrdreg $0xFFFFFFFF  }
0xb3: {  	[dreg:$0x0] =	wrdreg $0x60  }
0xb4: {  	[dreg:$0x2] =	wrdreg s24  }
0xb5: {  	[dreg:$0x3] =	wrdreg s16  }
0xb6: {  	[dreg:$0x4] =	wrdreg $0x9  }
0xb7: {  	_ =	task.clear_ibuf [dreg:s7], $0x5FFFF;
	_ =	strace $0x90000046  }
0xb8: {  	s29 =	simm.s32 $0x9;
	_ =	strace $0x80000048  }
0xb9: {  	_ =	swait.ge [sflag:s29], $0x1  }
0xba: {  	[sflag:s29] =	ssyncadd.s32 $0xFFFFFFFF  }
0xbb: {  	_ =	strace $0x90000048  }
0xbc: {  	_ =	sfence  }
0xbd: {  	s30 =	sld [smem:$0x0];
	_ =	sdelay $0x2  }
0xbe: {  	s31 =	sshll.u32 s1, $0xD;
	s1 =	sshrl.u32 s1, $0x2  }
0xbf: {  	s3 =	sand.u32 $0x4000, s31;
	s1 =	sadd.s32 s1, s30  }
0xc0: {  	s0 =	sor.u32 s3, s0;
	s1 =	sshll.u32 s1, $0x11  }
0xc1: {  	s0 =	sor.u32 s1, s0  }
0xc2: {  	s0 =	sadd.s32 $0x8F2B, s0  }
0xc3: {  	[sflag:s0] =	ssyncadd.remote.s32 $0x1  }
0xc4: {  	_ =	sfence.sel $0xFFFF  }
0xc5: {  	[dreg:$0x0] =	wrdreg $0xFFFFFFFF;
	(pc) =	sbr.abs _section_cstart, $3  }
0xc6: {  	[dreg:$0x1] =	wrdreg $0xFFFFFFFF  }
0xc7: {  	_ =	task.clear_ibuf [dreg:s7], $0x2FFFF;
	_ =	strace $0x9FFFFFFF  }
0xc8: {  	(tm) =	ssettm $0x7FFFFFFF  }
0xc9: {  	_ =	shalt  }
tec
execute0_lowered:
.L_overlay_start_1:
0x0: {  	(tag) =	ssettag $0x1  }
0x1: {  	s30 =	rddreg [dreg:$0x0]  }
0x2: {  	s0 =	rddreg [dreg:$0x1];
	s3 =	simm.s32 $0x0  }
0x3: {  	[smem:$0x7FF] =	sst s3;
	s26 =	sadd.s32 $0x200, s30  }
0x4: {  	s28 =	sadd.s32 $0x400, s30;
	_ =	strace $0x80000047;
	[dreg:$0x7] =	wrdreg s26  }
0x5: {  	s29 =	sadd.s32 $0x600, s30;
	[dreg:$0x8] =	wrdreg s28  }
0x6: {  	s31 =	sadd.s32 $0x800, s30;
	[dreg:$0x9] =	wrdreg s29  }
0x7: {  	s6 =	sadd.s32 $0xE00, s30;
	[dreg:$0xa] =	wrdreg s31  }
0x8: {  	s7 =	sadd.s32 $0x1000, s30;
	[dreg:$0xd] =	wrdreg s6  }
0x9: {  	s8 =	sadd.s32 $0x1200, s30;
	[dreg:$0xe] =	wrdreg s7  }
0xa: {  	s9 =	sadd.s32 $0x1400, s30;
	[dreg:$0xf] =	wrdreg s8  }
0xb: {  	s11 =	sadd.s32 $0x1600, s30;
	[dreg:$0x10] =	wrdreg s9  }
0xc: {  	s12 =	sadd.s32 $0x1800, s30;
	[dreg:$0x11] =	wrdreg s11  }
0xd: {  	s13 =	sadd.s32 $0x1A00, s30;
	[dreg:$0x12] =	wrdreg s12  }
0xe: {  	s14 =	sadd.s32 $0x1C00, s30;
	[dreg:$0x13] =	wrdreg s13  }
0xf: {  	s15 =	sadd.s32 $0x1E00, s30;
	[dreg:$0x14] =	wrdreg s14  }
0x10: {  	s1 =	srdreg.scid;
	s16 =	sadd.s32 $0x2000, s30;
	[dreg:$0x15] =	wrdreg s15  }
0x11: {  	s2 =	stileid.u32;
	s19 =	sadd.s32 $0x2200, s30;
	[dreg:$0x16] =	wrdreg s16  }
0x12: {  	s1 =	sand.u32 $0x1, s1;
	s22 =	sadd.s32 $0x2400, s30;
	[dreg:$0x18] =	wrdreg s19  }
0x13: {  	s2 =	sshll.u32 s2, $0x1;
	s24 =	sadd.s32 $0x2600, s30;
	[dreg:$0x19] =	wrdreg s22  }
0x14: {  	s4 =	ssub.s32 $0x2, s1;
	[dreg:$0x1a] =	wrdreg s24;
	s26 =	sadd.s32 $0x2A00, s30  }
0x15: {  	s1 =	sor.u32 s1, s2;
	s28 =	sadd.s32 $0x2C00, s30;
	[dreg:$0x1c] =	wrdreg s26  }
0x16: {  	s29 =	sadd.s32 $0x2E00, s30;
	s31 =	sadd.s32 $0x3000, s30;
	[dreg:$0x1d] =	wrdreg s28  }
0x17: {  	s25 =	sshrl.u32 s4, $0x1;
	s5 =	sshll.u32 s1, $0x6;
	[dreg:$0x1e] =	wrdreg s29  }
0x18: {  	s10 =	smul.u32 $0x6200, s1;
	[dreg:$0x1f] =	wrdreg s31;
	s0 =	sadd.s32 s0, s5  }
0x19: {  	s2 =	ssub.s32 s4, s25;
	s4 =	sadd.s32 $0xA00, s30;
	[dreg:$0x3] =	wrdreg s0  }
0x1a: {  	s1 =	smul.u32 $0x31000, s1;
	s5 =	sadd.s32 $0xC00, s30;
	[dreg:$0xb] =	wrdreg s4  }
0x1b: {  	s20 =	sadd.s32 $0x17EE00, s30;
	s25 =	sadd.s32 $0x2800, s30;
	[dreg:$0xc] =	wrdreg s5  }
0x1c: {  	s17 =	sadd.s32 s20, s10;
	s18 =	sshrl.u32 s1, $0x3;
	[dreg:$0x1b] =	wrdreg s25  }
0x1d: {  	[dreg:$0x17] =	wrdreg s17;
	s21 =	sadd.s32 $0x40, s17;
	s0 =	sadd.s32 s20, s18  }
0x1e: {  	v1 =	vlaneseq.u32;
	[dreg:$0x4] =	wrdreg s21;
	s23 =	sadd.s32 $0x3100, s0  }
0x1f: {  	v0 =	vand.u32 $0x3, v1;
	v1 =	vshrl.u32 v1, $0x2;
	s0 =	sadd.s32 $0x3140, s0;
	[dreg:$0x5] =	wrdreg s23  }
0x20: {  	vm0 =	vmmov $0xffff;
	vm1 =	vmmov $0xff;
	v1 =	vmul.u32 $0x8, v1;
	s26 =	simm.s32 $0x1;
	s1 =	smax.u32 s2, $0x1;
	[dreg:$0x6] =	wrdreg s0  }
.LBB2_1:
0x21: {  	[smem:$0x7FD] =	sst s1  }
0x22: {  	s0 =	rddreg [dreg:$0x3];
	s5 =	simm.s32 $0x5  }
0x23: {  	[tilespmem:s3], [sflag:$0x5] =	stream.linear.gather [hbm4b:s0+s3], $0x200, $0x38;
	[tilespmem:$0x18A00] =	vst v63  }
0x24: {  	_ =	swait.ge [sflag:s5], $0x200  }
0x25: {  	[sflag:s5] =	ssyncset.done $0x0  }
0x26: {  	[sflag:s5] =	ssyncadd.s32 $0xFFFFFE00  }
0x27: {  	v2 =	vld.msk [tilespmem:$0x0], $0xf;
	_ =	sdelay $0x4  }
0x28: {  	v3 =	vshrl.u32 v2, $0x3  }
0x29: {  	v3 =	vmul.u32 $0x310, v3  }
0x2a: {  	v2 =	vand.u32 $0x7, v2  }
0x2b: {  	v2 =	vor.u32 v2, v3  }
0x2c: {  	v2 =	vperm.xlane v2, v0;
	_ =	sdelay $0x1  }
0x2d: {  	v2 =	vadd.s32 v1, v2;
	_ =	sdelay $0x3  }
0x2e: {  	s6 =	simm.s32 $0x200;
	s24 =	rddreg [dreg:$0x0]  }
0x2f: {  	[tilespmem:s6], [sflag:$0x1] =	stream.indirect_vreg.gather [hbm4b:s24+s3], $0x80, v2, vm0, $0xb8;
	[tilespmem:$0x18A00] =	vst v63  }
0x30: {  	s7 =	simm.s32 $0xA00;
	s5 =	rddreg [dreg:$0x7]  }
0x31: {  	[tilespmem:s7], [sflag:$0x1] =	stream.indirect_vreg.gather [hbm4b:s5+s3], $0x80, v2, vm0, $0xb8;
	[tilespmem:$0x18A00] =	vst v63  }
0x32: {  	s8 =	simm.s32 $0x1200;
	s6 =	rddreg [dreg:$0x8]  }
0x33: {  	[tilespmem:s8], [sflag:$0x1] =	stream.indirect_vreg.gather [hbm4b:s6+s3], $0x80, v2, vm0, $0xb8;
	[tilespmem:$0x18A00] =	vst v63  }
0x34: {  	s9 =	simm.s32 $0x1A00;
	s7 =	rddreg [dreg:$0x9]  }
0x35: {  	[tilespmem:s9], [sflag:$0x1] =	stream.indirect_vreg.gather [hbm4b:s7+s3], $0x80, v2, vm0, $0xb8;
	[tilespmem:$0x18A00] =	vst v63  }
0x36: {  	s10 =	simm.s32 $0x2200;
	s8 =	rddreg [dreg:$0xa]  }
0x37: {  	[tilespmem:s10], [sflag:$0x1] =	stream.indirect_vreg.gather [hbm4b:s8+s3], $0x80, v2, vm0, $0xb8;
	[tilespmem:$0x18A00] =	vst v63  }
0x38: {  	s11 =	simm.s32 $0x2A00;
	s9 =	rddreg [dreg:$0xb]  }
0x39: {  	[tilespmem:s11], [sflag:$0x1] =	stream.indirect_vreg.gather [hbm4b:s9+s3], $0x80, v2, vm0, $0xb8;
	[tilespmem:$0x18A00] =	vst v63  }
0x3a: {  	s12 =	simm.s32 $0x3200;
	s10 =	rddreg [dreg:$0xc]  }
0x3b: {  	[tilespmem:s12], [sflag:$0x1] =	stream.indirect_vreg.gather [hbm4b:s10+s3], $0x80, v2, vm0, $0xb8;
	[tilespmem:$0x18A00] =	vst v63  }
0x3c: {  	s13 =	simm.s32 $0x3A00;
	s11 =	rddreg [dreg:$0xd]  }
0x3d: {  	[tilespmem:s13], [sflag:$0x1] =	stream.indirect_vreg.gather [hbm4b:s11+s3], $0x80, v2, vm0, $0xb8;
	[tilespmem:$0x18A00] =	vst v63  }
0x3e: {  	s14 =	simm.s32 $0x4200;
	s12 =	rddreg [dreg:$0xe]  }
0x3f: {  	[tilespmem:s14], [sflag:$0x1] =	stream.indirect_vreg.gather [hbm4b:s12+s3], $0x80, v2, vm0, $0xb8;
	[tilespmem:$0x18A00] =	vst v63  }
0x40: {  	s15 =	simm.s32 $0x4A00;
	s13 =	rddreg [dreg:$0xf]  }
0x41: {  	[tilespmem:s15], [sflag:$0x1] =	stream.indirect_vreg.gather [hbm4b:s13+s3], $0x80, v2, vm0, $0xb8;
	[tilespmem:$0x18A00] =	vst v63  }
0x42: {  	s16 =	simm.s32 $0x5200;
	s14 =	rddreg [dreg:$0x10]  }
0x43: {  	[tilespmem:s16], [sflag:$0x1] =	stream.indirect_vreg.gather [hbm4b:s14+s3], $0x80, v2, vm0, $0xb8;
	[tilespmem:$0x18A00] =	vst v63  }
0x44: {  	s17 =	simm.s32 $0x5A00;
	s15 =	rddreg [dreg:$0x11]  }
0x45: {  	[tilespmem:s17], [sflag:$0x1] =	stream.indirect_vreg.gather [hbm4b:s15+s3], $0x80, v2, vm0, $0xb8;
	[tilespmem:$0x18A00] =	vst v63  }
0x46: {  	s18 =	simm.s32 $0x6200;
	s16 =	rddreg [dreg:$0x12]  }
0x47: {  	[tilespmem:s18], [sflag:$0x1] =	stream.indirect_vreg.gather [hbm4b:s16+s3], $0x80, v2, vm0, $0xb8;
	[tilespmem:$0x18A00] =	vst v63  }
0x48: {  	s19 =	simm.s32 $0x6A00;
	s17 =	rddreg [dreg:$0x13]  }
0x49: {  	[tilespmem:s19], [sflag:$0x1] =	stream.indirect_vreg.gather [hbm4b:s17+s3], $0x80, v2, vm0, $0xb8;
	[tilespmem:$0x18A00] =	vst v63  }
0x4a: {  	s20 =	simm.s32 $0x7200;
	s18 =	rddreg [dreg:$0x14]  }
0x4b: {  	[tilespmem:s20], [sflag:$0x1] =	stream.indirect_vreg.gather [hbm4b:s18+s3], $0x80, v2, vm0, $0xb8;
	[tilespmem:$0x18A00] =	vst v63  }
0x4c: {  	s21 =	simm.s32 $0x7A00;
	s19 =	rddreg [dreg:$0x15]  }
0x4d: {  	[tilespmem:s21], [sflag:$0x1] =	stream.indirect_vreg.gather [hbm4b:s19+s3], $0x80, v2, vm0, $0xb8;
	[tilespmem:$0x18A00] =	vst v63  }
0x4e: {  	s22 =	simm.s32 $0x8200;
	s21 =	rddreg [dreg:$0x16]  }
0x4f: {  	[tilespmem:s22], [sflag:$0x1] =	stream.indirect_vreg.gather [hbm4b:s21+s3], $0x80, v2, vm0, $0xb8;
	[tilespmem:$0x18A00] =	vst v63  }
0x50: {  	s23 =	simm.s32 $0x8A00;
	s20 =	rddreg [dreg:$0x18]  }
0x51: {  	[tilespmem:s23], [sflag:$0x1] =	stream.indirect_vreg.gather [hbm4b:s20+s3], $0x80, v2, vm0, $0xb8;
	[tilespmem:$0x18A00] =	vst v63  }
0x52: {  	s25 =	simm.s32 $0x9200;
	s23 =	rddreg [dreg:$0x19]  }
0x53: {  	[tilespmem:s25], [sflag:$0x1] =	stream.indirect_vreg.gather [hbm4b:s23+s3], $0x80, v2, vm0, $0xb8;
	[tilespmem:$0x18A00] =	vst v63  }
0x54: {  	s28 =	simm.s32 $0x9A00;
	s2 =	rddreg [dreg:$0x1a]  }
0x55: {  	[tilespmem:s28], [sflag:$0x1] =	stream.indirect_vreg.gather [hbm4b:s2+s3], $0x80, v2, vm0, $0xb8;
	[tilespmem:$0x18A00] =	vst v63  }
0x56: {  	s29 =	simm.s32 $0xA200;
	s1 =	rddreg [dreg:$0x1b]  }
0x57: {  	[tilespmem:s29], [sflag:$0x1] =	stream.indirect_vreg.gather [hbm4b:s1+s3], $0x80, v2, vm0, $0xb8;
	[tilespmem:$0x18A00] =	vst v63  }
0x58: {  	s30 =	simm.s32 $0xAA00;
	s28 =	rddreg [dreg:$0x1c]  }
0x59: {  	[tilespmem:s30], [sflag:$0x1] =	stream.indirect_vreg.gather [hbm4b:s28+s3], $0x80, v2, vm0, $0xb8;
	[tilespmem:$0x18A00] =	vst v63  }
0x5a: {  	s31 =	simm.s32 $0xB200;
	s29 =	rddreg [dreg:$0x1d]  }
0x5b: {  	[tilespmem:s31], [sflag:$0x1] =	stream.indirect_vreg.gather [hbm4b:s29+s3], $0x80, v2, vm0, $0xb8;
	[tilespmem:$0x18A00] =	vst v63  }
0x5c: {  	s30 =	rddreg [dreg:$0x1e];
	s31 =	simm.s32 $0xBA00  }
0x5d: {  	[tilespmem:s31], [sflag:$0x1] =	stream.indirect_vreg.gather [hbm4b:s30+s3], $0x80, v2, vm0, $0xb8;
	[tilespmem:$0x18A00] =	vst v63  }
0x5e: {  	s4 =	simm.s32 $0xC200;
	s25 =	rddreg [dreg:$0x1f]  }
0x5f: {  	[tilespmem:s4], [sflag:$0x1] =	stream.indirect_vreg.gather [hbm4b:s25+s3], $0x80, v2, vm1, $0xb8;
	[tilespmem:$0x18A00] =	vst v63  }
0x60: {  	v2 =	vld.msk [tilespmem:$0x80], $0xf;
	_ =	sdelay $0x4  }
0x61: {  	v3 =	vshrl.u32 v2, $0x3  }
0x62: {  	v3 =	vmul.u32 $0x310, v3  }
0x63: {  	v2 =	vand.u32 $0x7, v2  }
0x64: {  	v2 =	vor.u32 v2, v3  }
0x65: {  	v2 =	vperm.xlane v2, v0;
	_ =	sdelay $0x1  }
0x66: {  	v2 =	vadd.s32 v1, v2;
	_ =	sdelay $0x3  }
0x67: {  	s22 =	simm.s32 $0xC600  }
0x68: {  	[tilespmem:s22], [sflag:$0x2] =	stream.indirect_vreg.gather [hbm4b:s24+s3], $0x80, v2, vm0, $0xb8;
	[tilespmem:$0x18A00] =	vst v63  }
0x69: {  	s4 =	simm.s32 $0xCE00  }
0x6a: {  	[tilespmem:s4], [sflag:$0x2] =	stream.indirect_vreg.gather [hbm4b:s5+s3], $0x80, v2, vm0, $0xb8;
	[tilespmem:$0x18A00] =	vst v63  }
0x6b: {  	s22 =	simm.s32 $0xD600  }
0x6c: {  	[tilespmem:s22], [sflag:$0x2] =	stream.indirect_vreg.gather [hbm4b:s6+s3], $0x80, v2, vm0, $0xb8;
	[tilespmem:$0x18A00] =	vst v63  }
0x6d: {  	s4 =	simm.s32 $0xDE00  }
0x6e: {  	[tilespmem:s4], [sflag:$0x2] =	stream.indirect_vreg.gather [hbm4b:s7+s3], $0x80, v2, vm0, $0xb8;
	[tilespmem:$0x18A00] =	vst v63  }
0x6f: {  	s22 =	simm.s32 $0xE600  }
0x70: {  	[tilespmem:s22], [sflag:$0x2] =	stream.indirect_vreg.gather [hbm4b:s8+s3], $0x80, v2, vm0, $0xb8;
	[tilespmem:$0x18A00] =	vst v63  }
0x71: {  	s4 =	simm.s32 $0xEE00  }
0x72: {  	[tilespmem:s4], [sflag:$0x2] =	stream.indirect_vreg.gather [hbm4b:s9+s3], $0x80, v2, vm0, $0xb8;
	[tilespmem:$0x18A00] =	vst v63  }
0x73: {  	s22 =	simm.s32 $0xF600  }
0x74: {  	[tilespmem:s22], [sflag:$0x2] =	stream.indirect_vreg.gather [hbm4b:s10+s3], $0x80, v2, vm0, $0xb8;
	[tilespmem:$0x18A00] =	vst v63  }
0x75: {  	s4 =	simm.s32 $0xFE00  }
0x76: {  	[tilespmem:s4], [sflag:$0x2] =	stream.indirect_vreg.gather [hbm4b:s11+s3], $0x80, v2, vm0, $0xb8;
	[tilespmem:$0x18A00] =	vst v63  }
0x77: {  	s22 =	simm.s32 $0x10600  }
0x78: {  	[tilespmem:s22], [sflag:$0x2] =	stream.indirect_vreg.gather [hbm4b:s12+s3], $0x80, v2, vm0, $0xb8;
	[tilespmem:$0x18A00] =	vst v63  }
0x79: {  	s4 =	simm.s32 $0x10E00  }
0x7a: {  	[tilespmem:s4], [sflag:$0x2] =	stream.indirect_vreg.gather [hbm4b:s13+s3], $0x80, v2, vm0, $0xb8;
	[tilespmem:$0x18A00] =	vst v63  }
0x7b: {  	s22 =	simm.s32 $0x11600  }
0x7c: {  	[tilespmem:s22], [sflag:$0x2] =	stream.indirect_vreg.gather [hbm4b:s14+s3], $0x80, v2, vm0, $0xb8;
	[tilespmem:$0x18A00] =	vst v63  }
0x7d: {  	s4 =	simm.s32 $0x11E00  }
0x7e: {  	[tilespmem:s4], [sflag:$0x2] =	stream.indirect_vreg.gather [hbm4b:s15+s3], $0x80, v2, vm0, $0xb8;
	[tilespmem:$0x18A00] =	vst v63  }
0x7f: {  	s22 =	simm.s32 $0x12600  }
0x80: {  	[tilespmem:s22], [sflag:$0x2] =	stream.indirect_vreg.gather [hbm4b:s16+s3], $0x80, v2, vm0, $0xb8;
	[tilespmem:$0x18A00] =	vst v63  }
0x81: {  	s4 =	simm.s32 $0x12E00  }
0x82: {  	[tilespmem:s4], [sflag:$0x2] =	stream.indirect_vreg.gather [hbm4b:s17+s3], $0x80, v2, vm0, $0xb8;
	[tilespmem:$0x18A00] =	vst v63  }
0x83: {  	s22 =	simm.s32 $0x13600  }
0x84: {  	[tilespmem:s22], [sflag:$0x2] =	stream.indirect_vreg.gather [hbm4b:s18+s3], $0x80, v2, vm0, $0xb8;
	[tilespmem:$0x18A00] =	vst v63  }
0x85: {  	s4 =	simm.s32 $0x13E00  }
0x86: {  	[tilespmem:s4], [sflag:$0x2] =	stream.indirect_vreg.gather [hbm4b:s19+s3], $0x80, v2, vm0, $0xb8;
	[tilespmem:$0x18A00] =	vst v63  }
0x87: {  	s22 =	simm.s32 $0x14600  }
0x88: {  	[tilespmem:s22], [sflag:$0x2] =	stream.indirect_vreg.gather [hbm4b:s21+s3], $0x80, v2, vm0, $0xb8;
	[tilespmem:$0x18A00] =	vst v63  }
0x89: {  	s4 =	simm.s32 $0x14E00  }
0x8a: {  	[tilespmem:s4], [sflag:$0x2] =	stream.indirect_vreg.gather [hbm4b:s20+s3], $0x80, v2, vm0, $0xb8;
	[tilespmem:$0x18A00] =	vst v63  }
0x8b: {  	s22 =	simm.s32 $0x15600  }
0x8c: {  	[tilespmem:s22], [sflag:$0x2] =	stream.indirect_vreg.gather [hbm4b:s23+s3], $0x80, v2, vm0, $0xb8;
	[tilespmem:$0x18A00] =	vst v63  }
0x8d: {  	s4 =	simm.s32 $0x15E00  }
0x8e: {  	[tilespmem:s4], [sflag:$0x2] =	stream.indirect_vreg.gather [hbm4b:s2+s3], $0x80, v2, vm0, $0xb8;
	[tilespmem:$0x18A00] =	vst v63  }
0x8f: {  	s22 =	simm.s32 $0x16600  }
0x90: {  	[tilespmem:s22], [sflag:$0x2] =	stream.indirect_vreg.gather [hbm4b:s1+s3], $0x80, v2, vm0, $0xb8;
	[tilespmem:$0x18A00] =	vst v63  }
0x91: {  	s4 =	simm.s32 $0x16E00  }
0x92: {  	[tilespmem:s4], [sflag:$0x2] =	stream.indirect_vreg.gather [hbm4b:s28+s3], $0x80, v2, vm0, $0xb8;
	[tilespmem:$0x18A00] =	vst v63  }
0x93: {  	s22 =	simm.s32 $0x17600  }
0x94: {  	[tilespmem:s22], [sflag:$0x2] =	stream.indirect_vreg.gather [hbm4b:s29+s3], $0x80, v2, vm0, $0xb8;
	[tilespmem:$0x18A00] =	vst v63  }
0x95: {  	s4 =	simm.s32 $0x17E00  }
0x96: {  	[tilespmem:s4], [sflag:$0x2] =	stream.indirect_vreg.gather [hbm4b:s30+s3], $0x80, v2, vm0, $0xb8;
	[tilespmem:$0x18A00] =	vst v63  }
0x97: {  	s22 =	simm.s32 $0x18600  }
0x98: {  	[tilespmem:s22], [sflag:$0x2] =	stream.indirect_vreg.gather [hbm4b:s25+s3], $0x80, v2, vm1, $0xb8;
	[tilespmem:$0x18A00] =	vst v63  }
0x99: {  	_ =	swait.ge [sflag:s26], $0xC400  }
0x9a: {  	s4 =	simm.s32 $0x400;
	[sflag:s26] =	ssyncset.done $0x0  }
0x9b: {  	s22 =	simm.s32 $0x200;
	s0 =	rddreg [dreg:$0x17];
	[sflag:s26] =	ssyncadd.s32 $0xFFFF3C00  }
0x9c: {  	[hbm4b:s0+s22] =	stream.strided.scatter [tilespmem:s22], [sflag:$0x3], $0xC400, s4, s22, $0x38;
	[tilespmem:$0x18A00] =	vst v63  }
0x9d: {  	s4 =	simm.s32 $0x3  }
0x9e: {  	_ =	swait.ge [sflag:s4], $0xC400  }
0x9f: {  	[sflag:s4] =	ssyncset.done $0x0  }
0xa0: {  	[sflag:s4] =	ssyncadd.s32 $0xFFFF3C00  }
0xa1: {  	v2 =	vld.msk [tilespmem:$0x100], $0xf;
	_ =	sdelay $0x4  }
0xa2: {  	v3 =	vshrl.u32 v2, $0x3  }
0xa3: {  	v3 =	vmul.u32 $0x310, v3  }
0xa4: {  	v2 =	vand.u32 $0x7, v2  }
0xa5: {  	v2 =	vor.u32 v2, v3  }
0xa6: {  	v2 =	vperm.xlane v2, v0;
	_ =	sdelay $0x1  }
0xa7: {  	v2 =	vadd.s32 v1, v2;
	_ =	sdelay $0x4  }
0xa8: {  	[tilespmem:s22], [sflag:$0x1] =	stream.indirect_vreg.gather [hbm4b:s24+s3], $0x80, v2, vm0, $0xb8;
	[tilespmem:$0x18A00] =	vst v63  }
0xa9: {  	s24 =	simm.s32 $0xA00  }
0xaa: {  	[tilespmem:s24], [sflag:$0x1] =	stream.indirect_vreg.gather [hbm4b:s5+s3], $0x80, v2, vm0, $0xb8;
	[tilespmem:$0x18A00] =	vst v63  }
0xab: {  	s4 =	simm.s32 $0x1200  }
0xac: {  	[tilespmem:s4], [sflag:$0x1] =	stream.indirect_vreg.gather [hbm4b:s6+s3], $0x80, v2, vm0, $0xb8;
	[tilespmem:$0x18A00] =	vst v63  }
0xad: {  	s22 =	simm.s32 $0x1A00  }
0xae: {  	[tilespmem:s22], [sflag:$0x1] =	stream.indirect_vreg.gather [hbm4b:s7+s3], $0x80, v2, vm0, $0xb8;
	[tilespmem:$0x18A00] =	vst v63  }
0xaf: {  	s24 =	simm.s32 $0x2200  }
0xb0: {  	[tilespmem:s24], [sflag:$0x1] =	stream.indirect_vreg.gather [hbm4b:s8+s3], $0x80, v2, vm0, $0xb8;
	[tilespmem:$0x18A00] =	vst v63  }
0xb1: {  	s4 =	simm.s32 $0x2A00  }
0xb2: {  	[tilespmem:s4], [sflag:$0x1] =	stream.indirect_vreg.gather [hbm4b:s9+s3], $0x80, v2, vm0, $0xb8;
	[tilespmem:$0x18A00] =	vst v63  }
0xb3: {  	s22 =	simm.s32 $0x3200  }
0xb4: {  	[tilespmem:s22], [sflag:$0x1] =	stream.indirect_vreg.gather [hbm4b:s10+s3], $0x80, v2, vm0, $0xb8;
	[tilespmem:$0x18A00] =	vst v63  }
0xb5: {  	s24 =	simm.s32 $0x3A00  }
0xb6: {  	[tilespmem:s24], [sflag:$0x1] =	stream.indirect_vreg.gather [hbm4b:s11+s3], $0x80, v2, vm0, $0xb8;
	[tilespmem:$0x18A00] =	vst v63  }
0xb7: {  	s4 =	simm.s32 $0x4200  }
0xb8: {  	[tilespmem:s4], [sflag:$0x1] =	stream.indirect_vreg.gather [hbm4b:s12+s3], $0x80, v2, vm0, $0xb8;
	[tilespmem:$0x18A00] =	vst v63  }
0xb9: {  	s22 =	simm.s32 $0x4A00  }
0xba: {  	[tilespmem:s22], [sflag:$0x1] =	stream.indirect_vreg.gather [hbm4b:s13+s3], $0x80, v2, vm0, $0xb8;
	[tilespmem:$0x18A00] =	vst v63  }
0xbb: {  	s24 =	simm.s32 $0x5200  }
0xbc: {  	[tilespmem:s24], [sflag:$0x1] =	stream.indirect_vreg.gather [hbm4b:s14+s3], $0x80, v2, vm0, $0xb8;
	[tilespmem:$0x18A00] =	vst v63  }
0xbd: {  	s4 =	simm.s32 $0x5A00  }
0xbe: {  	[tilespmem:s4], [sflag:$0x1] =	stream.indirect_vreg.gather [hbm4b:s15+s3], $0x80, v2, vm0, $0xb8;
	[tilespmem:$0x18A00] =	vst v63  }
0xbf: {  	s22 =	simm.s32 $0x6200  }
0xc0: {  	[tilespmem:s22], [sflag:$0x1] =	stream.indirect_vreg.gather [hbm4b:s16+s3], $0x80, v2, vm0, $0xb8;
	[tilespmem:$0x18A00] =	vst v63  }
0xc1: {  	s24 =	simm.s32 $0x6A00  }
0xc2: {  	[tilespmem:s24], [sflag:$0x1] =	stream.indirect_vreg.gather [hbm4b:s17+s3], $0x80, v2, vm0, $0xb8;
	[tilespmem:$0x18A00] =	vst v63  }
0xc3: {  	s4 =	simm.s32 $0x7200  }
0xc4: {  	[tilespmem:s4], [sflag:$0x1] =	stream.indirect_vreg.gather [hbm4b:s18+s3], $0x80, v2, vm0, $0xb8;
	[tilespmem:$0x18A00] =	vst v63  }
0xc5: {  	s22 =	simm.s32 $0x7A00  }
0xc6: {  	[tilespmem:s22], [sflag:$0x1] =	stream.indirect_vreg.gather [hbm4b:s19+s3], $0x80, v2, vm0, $0xb8;
	[tilespmem:$0x18A00] =	vst v63  }
0xc7: {  	s24 =	simm.s32 $0x8200  }
0xc8: {  	[tilespmem:s24], [sflag:$0x1] =	stream.indirect_vreg.gather [hbm4b:s21+s3], $0x80, v2, vm0, $0xb8;
	[tilespmem:$0x18A00] =	vst v63  }
0xc9: {  	s4 =	simm.s32 $0x8A00  }
0xca: {  	[tilespmem:s4], [sflag:$0x1] =	stream.indirect_vreg.gather [hbm4b:s20+s3], $0x80, v2, vm0, $0xb8;
	[tilespmem:$0x18A00] =	vst v63  }
0xcb: {  	s22 =	simm.s32 $0x9200  }
0xcc: {  	[tilespmem:s22], [sflag:$0x1] =	stream.indirect_vreg.gather [hbm4b:s23+s3], $0x80, v2, vm0, $0xb8;
	[tilespmem:$0x18A00] =	vst v63  }
0xcd: {  	s24 =	simm.s32 $0x9A00  }
0xce: {  	[tilespmem:s24], [sflag:$0x1] =	stream.indirect_vreg.gather [hbm4b:s2+s3], $0x80, v2, vm0, $0xb8;
	[tilespmem:$0x18A00] =	vst v63  }
0xcf: {  	s4 =	simm.s32 $0xA200  }
0xd0: {  	[tilespmem:s4], [sflag:$0x1] =	stream.indirect_vreg.gather [hbm4b:s1+s3], $0x80, v2, vm0, $0xb8;
	[tilespmem:$0x18A00] =	vst v63  }
0xd1: {  	s22 =	simm.s32 $0xAA00  }
0xd2: {  	[tilespmem:s22], [sflag:$0x1] =	stream.indirect_vreg.gather [hbm4b:s28+s3], $0x80, v2, vm0, $0xb8;
	[tilespmem:$0x18A00] =	vst v63  }
0xd3: {  	s24 =	simm.s32 $0xB200  }
0xd4: {  	[tilespmem:s24], [sflag:$0x1] =	stream.indirect_vreg.gather [hbm4b:s29+s3], $0x80, v2, vm0, $0xb8;
	[tilespmem:$0x18A00] =	vst v63  }
0xd5: {  	_ = 	snop  }
0xd6: {  	[tilespmem:s31], [sflag:$0x1] =	stream.indirect_vreg.gather [hbm4b:s30+s3], $0x80, v2, vm0, $0xb8;
	[tilespmem:$0x18A00] =	vst v63  }
0xd7: {  	s24 =	simm.s32 $0x2;
	s31 =	simm.s32 $0xC200  }
0xd8: {  	[tilespmem:s31], [sflag:$0x1] =	stream.indirect_vreg.gather [hbm4b:s25+s3], $0x80, v2, vm1, $0xb8;
	[tilespmem:$0x18A00] =	vst v63  }
0xd9: {  	_ =	swait.ge [sflag:s24], $0xC400  }
0xda: {  	s4 =	simm.s32 $0x200;
	s22 =	simm.s32 $0x400;
	[sflag:s24] =	ssyncset.done $0x0  }
0xdb: {  	s31 =	simm.s32 $0xC600;
	s0 =	rddreg [dreg:$0x4];
	[sflag:s24] =	ssyncadd.s32 $0xFFFF3C00  }
0xdc: {  	[hbm4b:s0+s4] =	stream.strided.scatter [tilespmem:s31], [sflag:$0x4], $0xC400, s22, s4, $0x38;
	[tilespmem:$0x18A00] =	vst v63  }
0xdd: {  	s22 =	simm.s32 $0x4  }
0xde: {  	_ =	swait.ge [sflag:s22], $0xC400  }
0xdf: {  	[sflag:s22] =	ssyncset.done $0x0  }
0xe0: {  	[sflag:s22] =	ssyncadd.s32 $0xFFFF3C00  }
0xe1: {  	v2 =	vld.msk [tilespmem:$0x180], $0xf;
	_ =	sdelay $0x4  }
0xe2: {  	v3 =	vshrl.u32 v2, $0x3  }
0xe3: {  	v3 =	vmul.u32 $0x310, v3  }
0xe4: {  	v2 =	vand.u32 $0x7, v2  }
0xe5: {  	v2 =	vor.u32 v2, v3  }
0xe6: {  	v2 =	vperm.xlane v2, v0;
	_ =	sdelay $0x1  }
0xe7: {  	v2 =	vadd.s32 v1, v2;
	_ =	sdelay $0x3  }
0xe8: {  	s4 =	rddreg [dreg:$0x0]  }
0xe9: {  	[tilespmem:s31], [sflag:$0x2] =	stream.indirect_vreg.gather [hbm4b:s4+s3], $0x80, v2, vm0, $0xb8;
	[tilespmem:$0x18A00] =	vst v63  }
0xea: {  	s4 =	simm.s32 $0xCE00  }
0xeb: {  	[tilespmem:s4], [sflag:$0x2] =	stream.indirect_vreg.gather [hbm4b:s5+s3], $0x80, v2, vm0, $0xb8;
	[tilespmem:$0x18A00] =	vst v63  }
0xec: {  	s5 =	simm.s32 $0xD600  }
0xed: {  	[tilespmem:s5], [sflag:$0x2] =	stream.indirect_vreg.gather [hbm4b:s6+s3], $0x80, v2, vm0, $0xb8;
	[tilespmem:$0x18A00] =	vst v63  }
0xee: {  	s6 =	simm.s32 $0xDE00  }
0xef: {  	[tilespmem:s6], [sflag:$0x2] =	stream.indirect_vreg.gather [hbm4b:s7+s3], $0x80, v2, vm0, $0xb8;
	[tilespmem:$0x18A00] =	vst v63  }
0xf0: {  	s7 =	simm.s32 $0xE600  }
0xf1: {  	[tilespmem:s7], [sflag:$0x2] =	stream.indirect_vreg.gather [hbm4b:s8+s3], $0x80, v2, vm0, $0xb8;
	[tilespmem:$0x18A00] =	vst v63  }
0xf2: {  	s8 =	simm.s32 $0xEE00  }
0xf3: {  	[tilespmem:s8], [sflag:$0x2] =	stream.indirect_vreg.gather [hbm4b:s9+s3], $0x80, v2, vm0, $0xb8;
	[tilespmem:$0x18A00] =	vst v63  }
0xf4: {  	s9 =	simm.s32 $0xF600  }
0xf5: {  	[tilespmem:s9], [sflag:$0x2] =	stream.indirect_vreg.gather [hbm4b:s10+s3], $0x80, v2, vm0, $0xb8;
	[tilespmem:$0x18A00] =	vst v63  }
0xf6: {  	s10 =	simm.s32 $0xFE00  }
0xf7: {  	[tilespmem:s10], [sflag:$0x2] =	stream.indirect_vreg.gather [hbm4b:s11+s3], $0x80, v2, vm0, $0xb8;
	[tilespmem:$0x18A00] =	vst v63  }
0xf8: {  	s4 =	simm.s32 $0x10600  }
0xf9: {  	[tilespmem:s4], [sflag:$0x2] =	stream.indirect_vreg.gather [hbm4b:s12+s3], $0x80, v2, vm0, $0xb8;
	[tilespmem:$0x18A00] =	vst v63  }
0xfa: {  	s5 =	simm.s32 $0x10E00  }
0xfb: {  	[tilespmem:s5], [sflag:$0x2] =	stream.indirect_vreg.gather [hbm4b:s13+s3], $0x80, v2, vm0, $0xb8;
	[tilespmem:$0x18A00] =	vst v63  }
0xfc: {  	s6 =	simm.s32 $0x11600  }
0xfd: {  	[tilespmem:s6], [sflag:$0x2] =	stream.indirect_vreg.gather [hbm4b:s14+s3], $0x80, v2, vm0, $0xb8;
	[tilespmem:$0x18A00] =	vst v63  }
0xfe: {  	s7 =	simm.s32 $0x11E00  }
0xff: {  	[tilespmem:s7], [sflag:$0x2] =	stream.indirect_vreg.gather [hbm4b:s15+s3], $0x80, v2, vm0, $0xb8;
	[tilespmem:$0x18A00] =	vst v63  }
0x100: {  	s8 =	simm.s32 $0x12600  }
0x101: {  	[tilespmem:s8], [sflag:$0x2] =	stream.indirect_vreg.gather [hbm4b:s16+s3], $0x80, v2, vm0, $0xb8;
	[tilespmem:$0x18A00] =	vst v63  }
0x102: {  	s9 =	simm.s32 $0x12E00  }
0x103: {  	[tilespmem:s9], [sflag:$0x2] =	stream.indirect_vreg.gather [hbm4b:s17+s3], $0x80, v2, vm0, $0xb8;
	[tilespmem:$0x18A00] =	vst v63  }
0x104: {  	s10 =	simm.s32 $0x13600  }
0x105: {  	[tilespmem:s10], [sflag:$0x2] =	stream.indirect_vreg.gather [hbm4b:s18+s3], $0x80, v2, vm0, $0xb8;
	[tilespmem:$0x18A00] =	vst v63  }
0x106: {  	s11 =	simm.s32 $0x13E00  }
0x107: {  	[tilespmem:s11], [sflag:$0x2] =	stream.indirect_vreg.gather [hbm4b:s19+s3], $0x80, v2, vm0, $0xb8;
	[tilespmem:$0x18A00] =	vst v63  }
0x108: {  	s12 =	simm.s32 $0x14600  }
0x109: {  	[tilespmem:s12], [sflag:$0x2] =	stream.indirect_vreg.gather [hbm4b:s21+s3], $0x80, v2, vm0, $0xb8;
	[tilespmem:$0x18A00] =	vst v63  }
0x10a: {  	s13 =	simm.s32 $0x14E00  }
0x10b: {  	[tilespmem:s13], [sflag:$0x2] =	stream.indirect_vreg.gather [hbm4b:s20+s3], $0x80, v2, vm0, $0xb8;
	[tilespmem:$0x18A00] =	vst v63  }
0x10c: {  	s14 =	simm.s32 $0x15600  }
0x10d: {  	[tilespmem:s14], [sflag:$0x2] =	stream.indirect_vreg.gather [hbm4b:s23+s3], $0x80, v2, vm0, $0xb8;
	[tilespmem:$0x18A00] =	vst v63  }
0x10e: {  	s15 =	simm.s32 $0x15E00  }
0x10f: {  	[tilespmem:s15], [sflag:$0x2] =	stream.indirect_vreg.gather [hbm4b:s2+s3], $0x80, v2, vm0, $0xb8;
	[tilespmem:$0x18A00] =	vst v63  }
0x110: {  	s16 =	simm.s32 $0x16600  }
0x111: {  	[tilespmem:s16], [sflag:$0x2] =	stream.indirect_vreg.gather [hbm4b:s1+s3], $0x80, v2, vm0, $0xb8;
	[tilespmem:$0x18A00] =	vst v63  }
0x112: {  	s18 =	simm.s32 $0x16E00  }
0x113: {  	[tilespmem:s18], [sflag:$0x2] =	stream.indirect_vreg.gather [hbm4b:s28+s3], $0x80, v2, vm0, $0xb8;
	[tilespmem:$0x18A00] =	vst v63  }
0x114: {  	s19 =	simm.s32 $0x17600  }
0x115: {  	[tilespmem:s19], [sflag:$0x2] =	stream.indirect_vreg.gather [hbm4b:s29+s3], $0x80, v2, vm0, $0xb8;
	[tilespmem:$0x18A00] =	vst v63  }
0x116: {  	s20 =	simm.s32 $0x17E00  }
0x117: {  	[tilespmem:s20], [sflag:$0x2] =	stream.indirect_vreg.gather [hbm4b:s30+s3], $0x80, v2, vm0, $0xb8;
	[tilespmem:$0x18A00] =	vst v63  }
0x118: {  	s21 =	simm.s32 $0x18600  }
0x119: {  	[tilespmem:s21], [sflag:$0x2] =	stream.indirect_vreg.gather [hbm4b:s25+s3], $0x80, v2, vm1, $0xb8;
	[tilespmem:$0x18A00] =	vst v63  }
0x11a: {  	s17 =	sld [smem:$0x7FD];
	_ =	swait.ge [sflag:s26], $0xC400  }
0x11b: {  	s28 =	simm.s32 $0x200;
	[sflag:s26] =	ssyncset.done $0x0  }
0x11c: {  	s25 =	simm.s32 $0x400;
	s23 =	rddreg [dreg:$0x5];
	[sflag:s26] =	ssyncadd.s32 $0xFFFF3C00  }
0x11d: {  	[hbm4b:s23+s28] =	stream.strided.scatter [tilespmem:s28], [sflag:$0x3], $0xC400, s25, s28, $0x38;
	[tilespmem:$0x18A00] =	vst v63  }
0x11e: {  	_ =	swait.ge [sflag:s24], $0xC400  }
0x11f: {  	s31 =	simm.s32 $0xC600;
	[sflag:s24] =	ssyncset.done $0x0  }
0x120: {  	s30 =	simm.s32 $0x3;
	s29 =	rddreg [dreg:$0x6];
	[sflag:s24] =	ssyncadd.s32 $0xFFFF3C00  }
0x121: {  	[hbm4b:s29+s28] =	stream.strided.scatter [tilespmem:s31], [sflag:$0x4], $0xC400, s25, s28, $0x38;
	[tilespmem:$0x18A00] =	vst v63  }
0x122: {  	p0 =	sne.s32 s17, $0x1;
	_ =	swait.ge [sflag:s30], $0xC400  }
.Ltmp0:
0x123: {  	s31 =	simm.s32 $0x3;
	[sflag:s30] =	ssyncset.done $0x0;
	(pc) =	sbr.rel @p0 .LBB2_1-.Ltmp0, $4  }
0x124: {  	[sflag:s31] =	ssyncadd.s32 $0xFFFF3C00  }
0x125: {  	_ =	swait.ge [sflag:s22], $0xC400  }
0x126: {  	[sflag:s22] =	ssyncset.done $0x0  }
0x127: {  	s1 =	sadd.s32 $0xFFFFFFFF, s17;
	[sflag:s22] =	ssyncadd.s32 $0xFFFF3C00  }
0x128: {  	_ =	sfence.sel $0x180000  }
0x129: {  	[bflag:$0x0] =	sbarrier.arrive $0xFFFF  }
0x12a: {  	_ =	strace $0x90000047  }
0x12b: {  	s0 =	stileid.u32;
	[bflag:$0x2] =	sbarrier.arrive $0xFFFF  }
0x12c: {  	p0 =	sne.s32 s0, $0x0;
	s0 =	rddreg [dreg:$0x2]  }
0x12d: {  	s0 =	sadd.s32 @!p0 $0x100000, s0  }
0x12e: {  	[sflag:s0] =	ssyncadd.tile.s32 @!p0 $0x1;
	_ =	shalt  }
.Lfunc_end2:
_tile_overlayer_lowered:
.L_overlay_start_2:
0x12f: {  	(tag) =	ssettag $0x2  }
0x130: {  	s0 =	rddreg [dreg:$0x0];
	s2 =	stileid.u32  }
0x131: {  	s1 =	rddreg [dreg:$0x1];
	p0 =	sne.s32 s2, $0x0  }
0x132: {  	s3 =	rddreg [dreg:$0x2];
	[bflag:$0x3] =	sbarrier.arrive $0xFFFF;
	s2 =	simm.s32 @!p0 $0x1C05  }
0x133: {  	[timem:s3], [sflag:s2] =	dma.local @!p0 [hbm:s0], s1  }
0x134: {  	s0 =	simm.s32 @!p0 $0x5  }
0x135: {  	_ =	swait.ge @!p0 [sflag:s0], s1  }
0x136: {  	s1 =	ssub.s32 @!p0 $0x0, s1;
	[sflag:s0] =	ssyncset.done @!p0 $0x0  }
0x137: {  	[sflag:s0] =	ssyncadd.s32 @!p0 s1  }
0x138: {  	[bflag:$0x3] =	sbarrier.arrive $0xFFFF  }
0x139: {  	_ =	shalt  }

// kernel: kernel.9.cloned.1.call-start
scs
__scs_entry_jumppad:
0x0: {  	(pc) =	sbr.rel $0x88, $3  }
0x1: {  	(tag) =	ssettag $0x0;
	lr =	simm.s32 $0x1  }
0x2: {  	[smem:$0x3F9E] =	sst lr;
	_ =	strace $0xD0000000  }
0x3: {  	_ = 	snop  }
0x4: {  	_ = 	snop  }
0x5: {  	_ = 	snop  }
0x6: {  	_ = 	snop  }
0x7: {  	_ = 	snop  }
__scs_overlays_trampoline_lowered:
0x8: {  	[smem:$0x3FAD] =	sst s0  }
0x9: {  	[smem:$0x3FAE] =	sst s1  }
0xa: {  	[smem:$0x3FAF] =	sst s2  }
0xb: {  	[smem:$0x3FB0] =	sst s3  }
0xc: {  	[smem:$0x3FB1] =	sst s4  }
0xd: {  	[smem:$0x3FB2] =	sst s5  }
0xe: {  	[smem:$0x3FB3] =	sst s6  }
0xf: {  	[smem:$0x3FB4] =	sst s7  }
0x10: {  	[smem:$0x3FB5] =	sst s8  }
0x11: {  	[smem:$0x3FB6] =	sst s9;
	s0 =	simm.s32 @!p0 $0x0  }
0x12: {  	s1 =	sld [smem:$0x3F9C];
	s0 =	simm.s32 @p0 $0x1  }
0x13: {  	[smem:$0x3FB7] =	sst s0;
	s0 =	simm.s32 @!p1 $0x0  }
0x14: {  	s2 =	sld [smem:$0x3F9B];
	s0 =	simm.s32 @p1 $0x1  }
0x15: {  	[smem:$0x3FB8] =	sst s0;
	s0 =	simm.s32 @!p2 $0x0  }
0x16: {  	s3 =	sld [smem:$0x3FDB];
	s0 =	simm.s32 @p2 $0x1  }
0x17: {  	s4 =	simm.s32 $0x1BF5;
	[smem:$0x3FBA] =	sst s0  }
0x18: {  	s0 =	sld [smem:$0x3F9D];
	_ =	swait.ge [sflag:s4], $0x0  }
0x19: {  	s7 =	sld [smem:$0x3F9E]  }
0x1a: {  	s8 =	sadd.s32 $0xFFFFE003, lr  }
0x1b: {  	s9 =	sadd.s32 $0xFFFFFEF7, lr;
	s5 =	simm.s32 $0xFFFFFFFF;
	p2 =	slt.u32 s8, $0xFFFFF086  }
0x1c: {  	p1 =	slt.u32 s9, $0xF7A;
	s5 =	simm.s32 @!p2 $0x0  }
0x1d: {  	s5 =	simm.s32 @p1 $0x1;
	p0 =	seq.s32 s7, s2  }
0x1e: {  	s7 =	smul.u32 @!p0 $0xF7A, s2;
	p2 =	seq.s32 @!p0 s5, $0x0  }
0x1f: {  	s9 =	smul.u32 $0xF7A, s1;
	s8 =	simm.s32 @!p0 $0x1BF5;
	p2 =	por !p2, p0  }
0x20: {  	[sflag:s8] =	ssyncset.s32 @!p0 $0xFFFFF086;
	s6 =	sadd.s32 @!p0 s3, s7;
	s7 =	simm.s32 @!p0 $0x108  }
0x21: {  	s3 =	sadd.s32 s3, s9;
	s6 =	sadd.s32 @!p0 $0x88, s6;
	s7 =	simm.s32 @p2 $0x1082  }
0x22: {  	[simem:s7], [sflag:s8] =	dma.local @!p0 [hbm:s6], $0xF7A  }
0x23: {  	s9 =	sor.u32 $0xD0000000, s2;
	s6 =	simm.s32 $0x108;
	_ =	swait.ge @!p0 [sflag:s8], $0x0  }
0x24: {  	s3 =	sadd.s32 $0x88, s3;
	s6 =	simm.s32 @!p1 $0x1082;
	[sflag:s4] =	ssyncset.s32 $0xFFFFF086  }
0x25: {  	[simem:s6], [sflag:s4] =	dma.local [hbm:s3], $0xF7A  }
0x26: {  	[smem:$0x3F9E] =	sst s1;
	(tag) =	ssettag s2;
	_ =	strace s9  }
0x27: {  	s1 =	sld [smem:$0x3FAE]  }
0x28: {  	s2 =	sld [smem:$0x3FAF]  }
0x29: {  	s4 =	sld [smem:$0x3FB1]  }
0x2a: {  	p0 =	seq.s32 s5, $0x0;
	s5 =	sld [smem:$0x3FB2]  }
0x2b: {  	s6 =	sld [smem:$0x3FB3]  }
0x2c: {  	s7 =	sld [smem:$0x3FB4]  }
0x2d: {  	s3 =	simm.s32 $0x108;
	s8 =	sld [smem:$0x3FB5]  }
0x2e: {  	s3 =	simm.s32 @!p0 $0x1082;
	s9 =	sld [smem:$0x3FB6]  }
0x2f: {  	lr =	sadd.s32 s0, s3;
	s0 =	sld [smem:$0x3FAD]  }
0x30: {  	s3 =	sld [smem:$0x3FB0]  }
0x31: {  	[smem:$0x3FB9] =	sst s10  }
0x32: {  	s10 =	sld [smem:$0x3FB7];
	_ =	sdelay $0x3  }
0x33: {  	p0 =	seq.s32 s10, $0x1;
	s10 =	sld [smem:$0x3FB9];
	_ =	sdelay $0x3  }
0x34: {  	[smem:$0x3FB9] =	sst s10  }
0x35: {  	s10 =	sld [smem:$0x3FB8];
	_ =	sdelay $0x3  }
0x36: {  	p1 =	seq.s32 s10, $0x1;
	s10 =	sld [smem:$0x3FB9];
	_ =	sdelay $0x3  }
0x37: {  	[smem:$0x3FB9] =	sst s10  }
0x38: {  	s10 =	sld [smem:$0x3FBA]  }
0x39: {  	_ = 	snop;
	(pc) =	sbr.ind lr, $3  }
0x3a: {  	_ = 	snop  }
0x3b: {  	_ = 	snop  }
0x3c: {  	p2 =	seq.s32 s10, $0x1;
	s10 =	sld [smem:$0x3FB9]  }
0x3d: {  	_ =	shalt  }
0x3e: {  	_ =	shalt  }
0x3f: {  	_ =	shalt  }
0x40: {  	_ =	shalt  }
0x41: {  	_ =	shalt  }
0x42: {  	_ =	shalt  }
0x43: {  	_ =	shalt  }
0x44: {  	_ =	shalt  }
0x45: {  	_ =	shalt  }
0x46: {  	_ =	shalt  }
0x47: {  	_ =	shalt  }
0x48: {  	_ =	shalt  }
0x49: {  	_ =	shalt  }
0x4a: {  	_ =	shalt  }
0x4b: {  	_ =	shalt  }
0x4c: {  	_ =	shalt  }
0x4d: {  	_ =	shalt  }
0x4e: {  	_ =	shalt  }
0x4f: {  	_ =	shalt  }
0x50: {  	_ =	shalt  }
0x51: {  	_ =	shalt  }
0x52: {  	_ =	shalt  }
0x53: {  	_ =	shalt  }
0x54: {  	_ =	shalt  }
0x55: {  	_ =	shalt  }
0x56: {  	_ =	shalt  }
0x57: {  	_ =	shalt  }
0x58: {  	_ =	shalt  }
0x59: {  	_ =	shalt  }
0x5a: {  	_ =	shalt  }
0x5b: {  	_ =	shalt  }
0x5c: {  	_ =	shalt  }
0x5d: {  	_ =	shalt  }
0x5e: {  	_ =	shalt  }
0x5f: {  	_ =	shalt  }
0x60: {  	_ =	shalt  }
0x61: {  	_ =	shalt  }
0x62: {  	_ =	shalt  }
0x63: {  	_ =	shalt  }
0x64: {  	_ =	shalt  }
0x65: {  	_ =	shalt  }
0x66: {  	_ =	shalt  }
0x67: {  	_ =	shalt  }
0x68: {  	_ =	shalt  }
0x69: {  	_ =	shalt  }
0x6a: {  	_ =	shalt  }
0x6b: {  	_ =	shalt  }
0x6c: {  	_ =	shalt  }
0x6d: {  	_ =	shalt  }
0x6e: {  	_ =	shalt  }
0x6f: {  	_ =	shalt  }
0x70: {  	_ =	shalt  }
0x71: {  	_ =	shalt  }
0x72: {  	_ =	shalt  }
0x73: {  	_ =	shalt  }
0x74: {  	_ =	shalt  }
0x75: {  	_ =	shalt  }
0x76: {  	_ =	shalt  }
0x77: {  	_ =	shalt  }
0x78: {  	_ =	shalt  }
0x79: {  	_ =	shalt  }
0x7a: {  	_ =	shalt  }
0x7b: {  	_ =	shalt  }
0x7c: {  	_ =	shalt  }
0x7d: {  	_ =	shalt  }
0x7e: {  	_ =	shalt  }
0x7f: {  	_ =	shalt  }
0x80: {  	_ =	shalt  }
0x81: {  	_ =	shalt  }
0x82: {  	_ =	shalt  }
0x83: {  	_ =	shalt  }
0x84: {  	_ =	shalt  }
0x85: {  	_ =	shalt  }
0x86: {  	_ =	shalt  }
0x87: {  	_ =	shalt  }
.Lfunc_end0:
.L_simem_size_0:
called_computation.1_lowered:
.L_overlay_start_0:
0x88: {  	s2 =	sld [smem:$0x3FD9]  }
0x89: {  	s3 =	sld [smem:$0x3FFE];
	_ =	sdelay $0x1  }
0x8a: {  	s1 =	srdreg.scid  }
0x8b: {  	s0 =	sand.u32 $0x1, s1  }
0x8c: {  	s14 =	sshll.u32 s0, $0xA;
	s2 =	sadd.s32 s3, s2  }
0x8d: {  	s2 =	sadd.s32 s2, s14  }
0x8e: {  	[smem:$0x3FC5] =	sst s2  }
0x8f: {  	_ = 	snop  }
0x90: {  	s2 =	sld [smem:$0x3FD0];
	_ =	sdelay $0x2  }
0x91: {  	s15 =	simm.s32 $0xA;
	s4 =	simm.s32 $0x10  }
0x92: {  	[smem:s4], [sflag:s15] =	dma.local [hbm:s2], $0x1  }
0x93: {  	_ =	swait.eq [sflag:s15], $0x1  }
0x94: {  	[sflag:s15] =	ssyncset.done $0x0  }
0x95: {  	[sflag:s15] =	ssyncadd.s32 $0xFFFFFFFF  }
0x96: {  	s16 =	sld [smem:$0x12];
	(tm) =	ssettm $0x1  }
0x97: {  	s17 =	sld [smem:$0x3FFB];
	_ =	sdelay $0x3  }
0x98: {  	_ =	strace s17  }
0x99: {  	s3 =	sld [smem:$0x3FFC];
	_ =	sdelay $0x3  }
0x9a: {  	_ =	strace s3  }
0x9b: {  	s3 =	sld [smem:$0x3FFD];
	_ =	sdelay $0x3  }
0x9c: {  	_ =	strace s3  }
0x9d: {  	_ =	strace $0x8FFFFFFF  }
0x9e: {  	s18 =	sld [smem:$0x3FDB];
	_ =	sdelay $0x1  }
0x9f: {  	s19 =	simm.s32 $_scs_section_size  }
0xa0: {  	s5 =	simm.s32 $_size__tile_overlayer_lowered;
	s6 =	simm.s32 $_tile_overlayer_lowered  }
0xa1: {  	s22 =	simm.s32 $0x1BFF;
	s21 =	sshll.u32 s6, $0x1;
	s3 =	sadd.s32 s19, s18  }
0xa2: {  	s7 =	simm.s32 $0x0;
	s20 =	sshll.u32 s5, $0x1;
	s5 =	sadd.s32 s21, s3  }
0xa3: {  	[timem:s7], [sflag:s22] =	dma.local [hbm:s5], s20  }
0xa4: {  	_ =	swait.ge [sflag:s22], s20  }
0xa5: {  	s4 =	ssub.s32 $0x0, s20;
	[sflag:s22] =	ssyncset.done $0x0  }
0xa6: {  	[sflag:s22] =	ssyncadd.s32 s4;
	_ =	sdelay $0x1  }
0xa7: {  	s23 =	simm.s32 $0x1B8B  }
0xa8: {  	_ =	swait.ge [sflag:s23], $0x1  }
0xa9: {  	[sflag:s23] =	ssyncset.done $0x0  }
0xaa: {  	s25 =	simm.s32 $0x1B8E;
	s24 =	sld [smem:$0x3FFE];
	[sflag:s23] =	ssyncadd.s32 $0xFFFFFFFF  }
0xab: {  	s26 =	simm.s32 $execute0_lowered;
	[smem:$0x3FD2] =	sst s25  }
0xac: {  	s5 =	sshll.u32 s26, $0x1;
	_ =	strace $0x80000049;
	[dreg:$0x1] =	wrdreg $0xFFFFFFFF  }
0xad: {  	s28 =	simm.s32 $_size_execute0_lowered;
	s3 =	sadd.s32 s3, s5;
	[dreg:$0x0] =	wrdreg $0x0  }
0xae: {  	s5 =	sshll.u32 s28, $0x1;
	[dreg:$0x2] =	wrdreg s3  }
0xaf: {  	[dreg:$0x3] =	wrdreg s5  }
0xb0: {  	[dreg:$0x4] =	wrdreg $0xC0  }
0xb1: {  	_ =	task [dreg:s7], $0x5FFFF  }
0xb2: {  	[dreg:$0x1] =	wrdreg $0xFFFFFFFF  }
0xb3: {  	[dreg:$0x0] =	wrdreg $0x60  }
0xb4: {  	[dreg:$0x2] =	wrdreg s24  }
0xb5: {  	[dreg:$0x3] =	wrdreg s16  }
0xb6: {  	[dreg:$0x4] =	wrdreg $0x9  }
0xb7: {  	_ =	task.clear_ibuf [dreg:s7], $0x5FFFF;
	_ =	strace $0x90000049  }
0xb8: {  	s29 =	simm.s32 $0x9;
	_ =	strace $0x8000004B  }
0xb9: {  	_ =	swait.ge [sflag:s29], $0x1  }
0xba: {  	[sflag:s29] =	ssyncadd.s32 $0xFFFFFFFF  }
0xbb: {  	_ =	strace $0x9000004B  }
0xbc: {  	_ =	sfence  }
0xbd: {  	s30 =	sld [smem:$0x0];
	_ =	sdelay $0x2  }
0xbe: {  	s31 =	sshll.u32 s1, $0xD;
	s1 =	sshrl.u32 s1, $0x2  }
0xbf: {  	s3 =	sand.u32 $0x4000, s31;
	s1 =	sadd.s32 s1, s30  }
0xc0: {  	s0 =	sor.u32 s3, s0;
	s1 =	sshll.u32 s1, $0x11  }
0xc1: {  	s0 =	sor.u32 s1, s0  }
0xc2: {  	s0 =	sadd.s32 $0x8F2B, s0  }
0xc3: {  	[sflag:s0] =	ssyncadd.remote.s32 $0x1  }
0xc4: {  	_ =	sfence.sel $0xFFFF  }
0xc5: {  	[dreg:$0x0] =	wrdreg $0xFFFFFFFF;
	(pc) =	sbr.abs _section_cstart, $3  }
0xc6: {  	[dreg:$0x1] =	wrdreg $0xFFFFFFFF  }
0xc7: {  	_ =	task.clear_ibuf [dreg:s7], $0x2FFFF;
	_ =	strace $0x9FFFFFFF  }
0xc8: {  	(tm) =	ssettm $0x7FFFFFFF  }
0xc9: {  	_ =	shalt  }
tec
execute0_lowered:
.L_overlay_start_1:
0x0: {  	(tag) =	ssettag $0x1  }
0x1: {  	s3 =	rddreg [dreg:$0x0]  }
0x2: {  	s0 =	rddreg [dreg:$0x1];
	s2 =	simm.s32 $0x0  }
0x3: {  	[smem:$0x7FF] =	sst s2;
	s14 =	sadd.s32 $0x200, s3  }
0x4: {  	s15 =	sadd.s32 $0x400, s3;
	_ =	strace $0x8000004A;
	[dreg:$0x4] =	wrdreg s14  }
0x5: {  	s16 =	sadd.s32 $0x600, s3;
	[dreg:$0x5] =	wrdreg s15  }
0x6: {  	s17 =	sadd.s32 $0x800, s3;
	[dreg:$0x6] =	wrdreg s16  }
0x7: {  	s18 =	sadd.s32 $0xA00, s3;
	[dreg:$0x7] =	wrdreg s17  }
0x8: {  	s19 =	sadd.s32 $0xC00, s3;
	[dreg:$0x8] =	wrdreg s18  }
0x9: {  	s1 =	srdreg.scid;
	s20 =	sadd.s32 $0xE00, s3;
	[dreg:$0x9] =	wrdreg s19  }
0xa: {  	s6 =	stileid.u32;
	s21 =	sadd.s32 $0x1000, s3;
	[dreg:$0xa] =	wrdreg s20  }
0xb: {  	s31 =	simm.s32 $0x3;
	s22 =	sadd.s32 $0x1200, s3;
	[dreg:$0xb] =	wrdreg s21  }
0xc: {  	s30 =	simm.s32 $0x80;
	s23 =	sadd.s32 $0x1400, s3;
	[dreg:$0xc] =	wrdreg s22  }
0xd: {  	s29 =	simm.s32 $0x4080;
	s24 =	sadd.s32 $0x1600, s3;
	[dreg:$0xd] =	wrdreg s23  }
0xe: {  	s28 =	simm.s32 $0x4880;
	s25 =	sadd.s32 $0x1800, s3;
	[dreg:$0xe] =	wrdreg s24  }
0xf: {  	p0 =	por $0x0, $0x0;
	s26 =	sadd.s32 $0x1A00, s3;
	[dreg:$0xf] =	wrdreg s25  }
0x10: {  	s1 =	sand.u32 $0x1, s1;
	s7 =	sadd.s32 $0x2000, s3;
	[dreg:$0x10] =	wrdreg s26  }
0x11: {  	s5 =	sshll.u32 s6, $0x5;
	s8 =	sadd.s32 $0x2200, s3;
	[dreg:$0x13] =	wrdreg s7  }
0x12: {  	s9 =	smul.u32 $0x18800, s6;
	s10 =	sadd.s32 $0x2400, s3;
	[dreg:$0x14] =	wrdreg s8  }
0x13: {  	s12 =	sadd.s32 $0x2600, s3;
	s13 =	sadd.s32 $0x2800, s3;
	[dreg:$0x15] =	wrdreg s10  }
0x14: {  	s6 =	simm.s32 $0xB080;
	s4 =	sshll.u32 s1, $0x4;
	[dreg:$0x16] =	wrdreg s12  }
0x15: {  	s11 =	sshll.u32 s1, $0x9;
	[dreg:$0x17] =	wrdreg s13;
	s14 =	sadd.s32 $0x2A00, s3  }
0x16: {  	s15 =	sadd.s32 $0x2C00, s3;
	s1 =	ssub.s32 $0x2, s1;
	s16 =	sadd.s32 $0x2E00, s3  }
0x17: {  	s18 =	sadd.s32 $0x3000, s3;
	s24 =	simm.s32 $0x880;
	[dreg:$0x18] =	wrdreg s14  }
0x18: {  	s25 =	simm.s32 $0x1080;
	s26 =	simm.s32 $0x1880;
	[dreg:$0x19] =	wrdreg s15  }
0x19: {  	s23 =	simm.s32 $0x6880;
	s22 =	simm.s32 $0x7080;
	[dreg:$0x1a] =	wrdreg s16  }
0x1a: {  	s21 =	simm.s32 $0x7880;
	s10 =	simm.s32 $0xA880;
	[dreg:$0x1b] =	wrdreg s18  }
0x1b: {  	s8 =	simm.s32 $0x1;
	s13 =	simm.s32 $0x2;
	[dreg:$0x1d] =	wrdreg s24  }
0x1c: {  	s0 =	sadd.s32 s0, s4;
	s4 =	sadd.s32 $0x1C00, s3;
	[dreg:$0x1e] =	wrdreg s25  }
0x1d: {  	s17 =	sshrl.u32 s1, $0x1;
	[dreg:$0x1f] =	wrdreg s26;
	s26 =	simm.s32 $0x5080  }
0x1e: {  	s25 =	simm.s32 $0x5880;
	s24 =	simm.s32 $0x6080;
	s16 =	simm.s32 $0x9080  }
0x1f: {  	s14 =	simm.s32 $0x9880;
	s15 =	simm.s32 $0xB880;
	s1 =	ssub.s32 s1, s17  }
0x20: {  	s18 =	simm.s32 $0xC080;
	s0 =	sadd.s32 s5, s0;
	s20 =	smax.u32 s1, $0x1  }
0x21: {  	[dreg:$0x11] =	wrdreg s4;
	s5 =	sadd.s32 $0x1E00, s3;
	p1 =	sne.s32 s20, $0x1  }
.Ltmp0:
0x22: {  	s4 =	sor.u32 s11, s9;
	s17 =	simm.s32 $0x8880;
	(pc) =	sbr.rel @!p1 .LBB2_1-.Ltmp0, $4  }
0x23: {  	s11 =	simm.s32 $0xA080;
	[dreg:$0x3] =	wrdreg s0;
	s4 =	sshrl.u32 s4, $0x3  }
0x24: {  	v1 =	vlaneseq.u32;
	[dreg:$0x12] =	wrdreg s5;
	s4 =	sadd.s32 s4, s3;
	s5 =	sadd.s32 $0xFFFFFFFF, s20  }
0x25: {  	v0 =	vand.u32 $0x3, v1;
	v1 =	vshrl.u32 v1, $0x2;
	s20 =	simm.s32 $0x400;
	s1 =	rddreg [dreg:$0x3];
	s19 =	sadd.s32 $0x17EE00, s4  }
0x26: {  	vm0 =	vmmov $0xffff;
	vm1 =	vmmov $0xff;
	v1 =	vmul.u32 $0x8, v1;
	s4 =	simm.s32 $0x3880;
	[dreg:$0x1c] =	wrdreg s19;
	s19 =	simm.s32 $0x8080  }
0x27: {  	[tilespmem:s2], [sflag:$0x3] =	stream.linear.gather [hbm4b:s1+s2], $0x80, $0x38;
	[tilespmem:$0xC480] =	vst v63  }
0x28: {  	_ =	swait.ge [sflag:s31], $0x80  }
0x29: {  	[sflag:s31] =	ssyncset.done $0x0  }
0x2a: {  	[sflag:s31] =	ssyncadd.s32 $0xFFFFFF80  }
0x2b: {  	v2 =	vld.msk [tilespmem:$0x0], $0xf;
	_ =	sdelay $0x4  }
0x2c: {  	v3 =	vshrl.u32 v2, $0x3  }
0x2d: {  	v3 =	vmul.u32 $0x310, v3  }
0x2e: {  	v2 =	vand.u32 $0x7, v2  }
0x2f: {  	v2 =	vor.u32 v2, v3  }
0x30: {  	v2 =	vperm.xlane v2, v0  }
0x31: {  	s7 =	rddreg [dreg:$0x1e]  }
0x32: {  	s1 =	rddreg [dreg:$0x1d];
	v2 =	vadd.s32 v1, v2  }
0x33: {  	s0 =	rddreg [dreg:$0x4]  }
0x34: {  	s9 =	rddreg [dreg:$0x5]  }
0x35: {  	[smem:$0x7FC] =	sst s7  }
0x36: {  	[smem:$0x7FD] =	sst s9  }
0x37: {  	[tilespmem:s30], [sflag:$0x1] =	stream.indirect_vreg.gather [hbm4b:s3+s2], $0x80, v2, vm0, $0xb8;
	[tilespmem:$0xC480] =	vst v63  }
0x38: {  	s9 =	sld [smem:$0x7FD]  }
0x39: {  	[tilespmem:s1], [sflag:$0x1] =	stream.indirect_vreg.gather [hbm4b:s0+s2], $0x80, v2, vm0, $0xb8;
	[tilespmem:$0xC480] =	vst v63  }
0x3a: {  	s0 =	sld [smem:$0x7FC]  }
0x3b: {  	s3 =	rddreg [dreg:$0x1f]  }
0x3c: {  	s1 =	rddreg [dreg:$0x6]  }
0x3d: {  	[tilespmem:s0], [sflag:$0x1] =	stream.indirect_vreg.gather [hbm4b:s9+s2], $0x80, v2, vm0, $0xb8;
	[tilespmem:$0xC480] =	vst v63  }
0x3e: {  	s9 =	rddreg [dreg:$0x7]  }
0x3f: {  	[tilespmem:s3], [sflag:$0x1] =	stream.indirect_vreg.gather [hbm4b:s1+s2], $0x80, v2, vm0, $0xb8;
	[tilespmem:$0xC480] =	vst v63  }
0x40: {  	s6 =	simm.s32 $0x2080;
	s3 =	rddreg [dreg:$0x8]  }
0x41: {  	[tilespmem:s6], [sflag:$0x1] =	stream.indirect_vreg.gather [hbm4b:s9+s2], $0x80, v2, vm0, $0xb8;
	[tilespmem:$0xC480] =	vst v63  }
0x42: {  	s9 =	rddreg [dreg:$0x9]  }
0x43: {  	s12 =	simm.s32 $0x2880;
	s6 =	rddreg [dreg:$0xc]  }
0x44: {  	[tilespmem:s12], [sflag:$0x1] =	stream.indirect_vreg.gather [hbm4b:s3+s2], $0x80, v2, vm0, $0xb8;
	[tilespmem:$0xC480] =	vst v63  }
0x45: {  	s12 =	rddreg [dreg:$0xa]  }
0x46: {  	s7 =	simm.s32 $0x3080;
	s3 =	rddreg [dreg:$0xb]  }
0x47: {  	[tilespmem:s7], [sflag:$0x1] =	stream.indirect_vreg.gather [hbm4b:s9+s2], $0x80, v2, vm0, $0xb8;
	[tilespmem:$0xC480] =	vst v63  }
0x48: {  	s7 =	rddreg [dreg:$0xd]  }
0x49: {  	[tilespmem:s4], [sflag:$0x1] =	stream.indirect_vreg.gather [hbm4b:s12+s2], $0x80, v2, vm0, $0xb8;
	[tilespmem:$0xC480] =	vst v63  }
0x4a: {  	s9 =	rddreg [dreg:$0xe]  }
0x4b: {  	[tilespmem:s29], [sflag:$0x1] =	stream.indirect_vreg.gather [hbm4b:s3+s2], $0x80, v2, vm0, $0xb8;
	[tilespmem:$0xC480] =	vst v63  }
0x4c: {  	s12 =	rddreg [dreg:$0xf]  }
0x4d: {  	[tilespmem:s28], [sflag:$0x1] =	stream.indirect_vreg.gather [hbm4b:s6+s2], $0x80, v2, vm0, $0xb8;
	[tilespmem:$0xC480] =	vst v63  }
0x4e: {  	s4 =	rddreg [dreg:$0x12]  }
0x4f: {  	[tilespmem:s26], [sflag:$0x1] =	stream.indirect_vreg.gather [hbm4b:s7+s2], $0x80, v2, vm0, $0xb8;
	[tilespmem:$0xC480] =	vst v63  }
0x50: {  	s3 =	rddreg [dreg:$0x11]  }
0x51: {  	[tilespmem:s25], [sflag:$0x1] =	stream.indirect_vreg.gather [hbm4b:s9+s2], $0x80, v2, vm0, $0xb8;
	[tilespmem:$0xC480] =	vst v63  }
0x52: {  	s6 =	rddreg [dreg:$0x13]  }
0x53: {  	[tilespmem:s24], [sflag:$0x1] =	stream.indirect_vreg.gather [hbm4b:s12+s2], $0x80, v2, vm0, $0xb8;
	[tilespmem:$0xC480] =	vst v63  }
0x54: {  	s26 =	rddreg [dreg:$0x10]  }
0x55: {  	[tilespmem:s23], [sflag:$0x1] =	stream.indirect_vreg.gather [hbm4b:s26+s2], $0x80, v2, vm0, $0xb8;
	[tilespmem:$0xC480] =	vst v63  }
0x56: {  	s7 =	rddreg [dreg:$0x14]  }
0x57: {  	[tilespmem:s22], [sflag:$0x1] =	stream.indirect_vreg.gather [hbm4b:s3+s2], $0x80, v2, vm0, $0xb8;
	[tilespmem:$0xC480] =	vst v63  }
0x58: {  	s9 =	rddreg [dreg:$0x15]  }
0x59: {  	[tilespmem:s21], [sflag:$0x1] =	stream.indirect_vreg.gather [hbm4b:s4+s2], $0x80, v2, vm0, $0xb8;
	[tilespmem:$0xC480] =	vst v63  }
0x5a: {  	s12 =	rddreg [dreg:$0x16]  }
0x5b: {  	[tilespmem:s19], [sflag:$0x1] =	stream.indirect_vreg.gather [hbm4b:s6+s2], $0x80, v2, vm0, $0xb8;
	[tilespmem:$0xC480] =	vst v63  }
0x5c: {  	s24 =	rddreg [dreg:$0x1b]  }
0x5d: {  	[tilespmem:s17], [sflag:$0x1] =	stream.indirect_vreg.gather [hbm4b:s7+s2], $0x80, v2, vm0, $0xb8;
	[tilespmem:$0xC480] =	vst v63  }
0x5e: {  	p1 =	sne.s32 s5, $0x1;
	s22 =	rddreg [dreg:$0x1a]  }
0x5f: {  	[tilespmem:s16], [sflag:$0x1] =	stream.indirect_vreg.gather [hbm4b:s9+s2], $0x80, v2, vm0, $0xb8;
	[tilespmem:$0xC480] =	vst v63  }
0x60: {  	p0 =	por $0x1, $0x1;
	s0 =	sadd.s32 $0xFFFFFFFF, s5;
	s21 =	rddreg [dreg:$0x19]  }
0x61: {  	[tilespmem:s14], [sflag:$0x1] =	stream.indirect_vreg.gather [hbm4b:s12+s2], $0x80, v2, vm0, $0xb8;
	[tilespmem:$0xC480] =	vst v63  }
0x62: {  	s29 =	simm.s32 $0x4880;
	s28 =	simm.s32 $0x5080;
	s17 =	rddreg [dreg:$0x17]  }
0x63: {  	[tilespmem:s11], [sflag:$0x1] =	stream.indirect_vreg.gather [hbm4b:s17+s2], $0x80, v2, vm0, $0xb8;
	[tilespmem:$0xC480] =	vst v63  }
0x64: {  	s23 =	simm.s32 $0xB080;
	s26 =	simm.s32 $0x200;
	s19 =	rddreg [dreg:$0x18]  }
0x65: {  	[tilespmem:s10], [sflag:$0x1] =	stream.indirect_vreg.gather [hbm4b:s19+s2], $0x80, v2, vm0, $0xb8;
	[tilespmem:$0xC480] =	vst v63  }
0x66: {  	s4 =	simm.s32 $0x3880;
	s9 =	simm.s32 $0x80;
	s16 =	simm.s32 $0xB880  }
0x67: {  	[tilespmem:s23], [sflag:$0x1] =	stream.indirect_vreg.gather [hbm4b:s21+s2], $0x80, v2, vm0, $0xb8;
	[tilespmem:$0xC480] =	vst v63  }
0x68: {  	s14 =	simm.s32 $0x200;
	s12 =	simm.s32 $0xA080;
	s17 =	simm.s32 $0x9080  }
0x69: {  	[tilespmem:s15], [sflag:$0x1] =	stream.indirect_vreg.gather [hbm4b:s22+s2], $0x80, v2, vm0, $0xb8;
	[tilespmem:$0xC480] =	vst v63  }
0x6a: {  	s11 =	simm.s32 $0x2080;
	s19 =	simm.s32 $0xC080;
	s10 =	simm.s32 $0x2880  }
0x6b: {  	[tilespmem:s18], [sflag:$0x1] =	stream.indirect_vreg.gather [hbm4b:s24+s2], $0x80, v2, vm1, $0xb8;
	[tilespmem:$0xC480] =	vst v63  }
0x6c: {  	s23 =	simm.s32 $0x7080;
	s21 =	simm.s32 $0x400;
	_ =	swait.ge [sflag:s8], $0xC400  }
0x6d: {  	s22 =	simm.s32 $0x7880;
	s15 =	simm.s32 $0x9880;
	[sflag:s8] =	ssyncset.done $0x0  }
.Ltmp1:
0x6e: {  	s25 =	rddreg [dreg:$0x1c];
	[sflag:s8] =	ssyncadd.s32 $0xFFFF3C00;
	(pc) =	sbr.rel @!p1 .LBB2_3-.Ltmp1, $4  }
0x6f: {  	[hbm4b:s25+s26] =	stream.strided.scatter [tilespmem:s30], [sflag:$0x2], $0xC400, s20, s26, $0x38;
	[tilespmem:$0xC480] =	vst v63  }
0x70: {  	s24 =	simm.s32 $0x6880;
	s18 =	simm.s32 $0x8880;
	s30 =	simm.s32 $0x4080  }
0x71: {  	s26 =	simm.s32 $0x5880;
	s25 =	simm.s32 $0x6080;
	_ =	swait.ge [sflag:s13], $0xC400  }
0x72: {  	s20 =	simm.s32 $0x8080;
	s1 =	rddreg [dreg:$0x3];
	[sflag:s13] =	ssyncset.done $0x0  }
.LBB2_4:
0x73: {  	[sflag:s13] =	ssyncadd.s32 $0xFFFF3C00  }
0x74: {  	[tilespmem:s2], [sflag:$0x3] =	stream.linear.gather [hbm4b:s1+s2], $0x80, $0x38;
	[tilespmem:$0xC480] =	vst v63  }
0x75: {  	_ =	swait.ge [sflag:s31], $0x80  }
0x76: {  	[sflag:s31] =	ssyncset.done $0x0  }
0x77: {  	[sflag:s31] =	ssyncadd.s32 $0xFFFFFF80  }
0x78: {  	v2 =	vld.msk [tilespmem:$0x0], $0xf;
	_ =	sdelay $0x4  }
0x79: {  	v3 =	vshrl.u32 v2, $0x3  }
0x7a: {  	v3 =	vmul.u32 $0x310, v3  }
0x7b: {  	v2 =	vand.u32 $0x7, v2  }
0x7c: {  	v2 =	vor.u32 v2, v3  }
0x7d: {  	v2 =	vperm.xlane v2, v0;
	_ =	sdelay $0x1  }
0x7e: {  	v2 =	vadd.s32 v1, v2  }
0x7f: {  	s1 =	rddreg [dreg:$0x1f]  }
0x80: {  	s3 =	rddreg [dreg:$0x1e]  }
0x81: {  	s5 =	rddreg [dreg:$0x1d]  }
0x82: {  	s7 =	rddreg [dreg:$0x0]  }
0x83: {  	[tilespmem:s9], [sflag:$0x1] =	stream.indirect_vreg.gather [hbm4b:s7+s2], $0x80, v2, vm0, $0xb8;
	[tilespmem:$0xC480] =	vst v63  }
0x84: {  	s6 =	rddreg [dreg:$0x4]  }
0x85: {  	[tilespmem:s5], [sflag:$0x1] =	stream.indirect_vreg.gather [hbm4b:s6+s2], $0x80, v2, vm0, $0xb8;
	[tilespmem:$0xC480] =	vst v63  }
0x86: {  	s7 =	rddreg [dreg:$0x5]  }
0x87: {  	[tilespmem:s3], [sflag:$0x1] =	stream.indirect_vreg.gather [hbm4b:s7+s2], $0x80, v2, vm0, $0xb8;
	[tilespmem:$0xC480] =	vst v63  }
0x88: {  	s6 =	rddreg [dreg:$0x6]  }
0x89: {  	[tilespmem:s1], [sflag:$0x1] =	stream.indirect_vreg.gather [hbm4b:s6+s2], $0x80, v2, vm0, $0xb8;
	[tilespmem:$0xC480] =	vst v63  }
0x8a: {  	s7 =	rddreg [dreg:$0x7]  }
0x8b: {  	[tilespmem:s11], [sflag:$0x1] =	stream.indirect_vreg.gather [hbm4b:s7+s2], $0x80, v2, vm0, $0xb8;
	[tilespmem:$0xC480] =	vst v63  }
0x8c: {  	s6 =	rddreg [dreg:$0x8]  }
0x8d: {  	[tilespmem:s10], [sflag:$0x1] =	stream.indirect_vreg.gather [hbm4b:s6+s2], $0x80, v2, vm0, $0xb8;
	[tilespmem:$0xC480] =	vst v63  }
0x8e: {  	s5 =	simm.s32 $0x3080;
	s7 =	rddreg [dreg:$0x9]  }
0x8f: {  	[tilespmem:s5], [sflag:$0x1] =	stream.indirect_vreg.gather [hbm4b:s7+s2], $0x80, v2, vm0, $0xb8;
	[tilespmem:$0xC480] =	vst v63  }
0x90: {  	s6 =	rddreg [dreg:$0xa]  }
0x91: {  	[tilespmem:s4], [sflag:$0x1] =	stream.indirect_vreg.gather [hbm4b:s6+s2], $0x80, v2, vm0, $0xb8;
	[tilespmem:$0xC480] =	vst v63  }
0x92: {  	s7 =	rddreg [dreg:$0xb]  }
0x93: {  	[tilespmem:s30], [sflag:$0x1] =	stream.indirect_vreg.gather [hbm4b:s7+s2], $0x80, v2, vm0, $0xb8;
	[tilespmem:$0xC480] =	vst v63  }
0x94: {  	s5 =	rddreg [dreg:$0xc]  }
0x95: {  	[tilespmem:s29], [sflag:$0x1] =	stream.indirect_vreg.gather [hbm4b:s5+s2], $0x80, v2, vm0, $0xb8;
	[tilespmem:$0xC480] =	vst v63  }
0x96: {  	s6 =	rddreg [dreg:$0xd]  }
0x97: {  	[tilespmem:s28], [sflag:$0x1] =	stream.indirect_vreg.gather [hbm4b:s6+s2], $0x80, v2, vm0, $0xb8;
	[tilespmem:$0xC480] =	vst v63  }
0x98: {  	s7 =	rddreg [dreg:$0xe]  }
0x99: {  	[tilespmem:s26], [sflag:$0x1] =	stream.indirect_vreg.gather [hbm4b:s7+s2], $0x80, v2, vm0, $0xb8;
	[tilespmem:$0xC480] =	vst v63  }
0x9a: {  	s5 =	rddreg [dreg:$0xf]  }
0x9b: {  	[tilespmem:s25], [sflag:$0x1] =	stream.indirect_vreg.gather [hbm4b:s5+s2], $0x80, v2, vm0, $0xb8;
	[tilespmem:$0xC480] =	vst v63  }
0x9c: {  	s6 =	rddreg [dreg:$0x10]  }
0x9d: {  	[tilespmem:s24], [sflag:$0x1] =	stream.indirect_vreg.gather [hbm4b:s6+s2], $0x80, v2, vm0, $0xb8;
	[tilespmem:$0xC480] =	vst v63  }
0x9e: {  	s7 =	rddreg [dreg:$0x11]  }
0x9f: {  	[tilespmem:s23], [sflag:$0x1] =	stream.indirect_vreg.gather [hbm4b:s7+s2], $0x80, v2, vm0, $0xb8;
	[tilespmem:$0xC480] =	vst v63  }
0xa0: {  	s5 =	rddreg [dreg:$0x12]  }
0xa1: {  	[tilespmem:s22], [sflag:$0x1] =	stream.indirect_vreg.gather [hbm4b:s5+s2], $0x80, v2, vm0, $0xb8;
	[tilespmem:$0xC480] =	vst v63  }
0xa2: {  	s6 =	rddreg [dreg:$0x13]  }
0xa3: {  	[tilespmem:s20], [sflag:$0x1] =	stream.indirect_vreg.gather [hbm4b:s6+s2], $0x80, v2, vm0, $0xb8;
	[tilespmem:$0xC480] =	vst v63  }
0xa4: {  	s7 =	rddreg [dreg:$0x14]  }
0xa5: {  	[tilespmem:s18], [sflag:$0x1] =	stream.indirect_vreg.gather [hbm4b:s7+s2], $0x80, v2, vm0, $0xb8;
	[tilespmem:$0xC480] =	vst v63  }
0xa6: {  	s5 =	rddreg [dreg:$0x15]  }
0xa7: {  	[tilespmem:s17], [sflag:$0x1] =	stream.indirect_vreg.gather [hbm4b:s5+s2], $0x80, v2, vm0, $0xb8;
	[tilespmem:$0xC480] =	vst v63  }
0xa8: {  	s6 =	rddreg [dreg:$0x16]  }
0xa9: {  	[tilespmem:s15], [sflag:$0x1] =	stream.indirect_vreg.gather [hbm4b:s6+s2], $0x80, v2, vm0, $0xb8;
	[tilespmem:$0xC480] =	vst v63  }
0xaa: {  	s7 =	rddreg [dreg:$0x17]  }
0xab: {  	[tilespmem:s12], [sflag:$0x1] =	stream.indirect_vreg.gather [hbm4b:s7+s2], $0x80, v2, vm0, $0xb8;
	[tilespmem:$0xC480] =	vst v63  }
0xac: {  	s5 =	rddreg [dreg:$0x18];
	s6 =	simm.s32 $0xA880  }
0xad: {  	[tilespmem:s6], [sflag:$0x1] =	stream.indirect_vreg.gather [hbm4b:s5+s2], $0x80, v2, vm0, $0xb8;
	[tilespmem:$0xC480] =	vst v63  }
0xae: {  	s3 =	rddreg [dreg:$0x19];
	s7 =	simm.s32 $0xB080  }
0xaf: {  	[tilespmem:s7], [sflag:$0x1] =	stream.indirect_vreg.gather [hbm4b:s3+s2], $0x80, v2, vm0, $0xb8;
	[tilespmem:$0xC480] =	vst v63  }
0xb0: {  	s1 =	rddreg [dreg:$0x1a]  }
0xb1: {  	[tilespmem:s16], [sflag:$0x1] =	stream.indirect_vreg.gather [hbm4b:s1+s2], $0x80, v2, vm0, $0xb8;
	[tilespmem:$0xC480] =	vst v63  }
0xb2: {  	s6 =	rddreg [dreg:$0x1b]  }
0xb3: {  	[tilespmem:s19], [sflag:$0x1] =	stream.indirect_vreg.gather [hbm4b:s6+s2], $0x80, v2, vm1, $0xb8;
	[tilespmem:$0xC480] =	vst v63  }
0xb4: {  	p1 =	sne.s32 s0, $0x1;
	_ =	swait.ge [sflag:s8], $0xC400  }
.Ltmp2:
0xb5: {  	[sflag:s8] =	ssyncset.done $0x0;
	(pc) =	sbr.rel @p1 .LBB2_4-.Ltmp2, $4  }
0xb6: {  	s7 =	rddreg [dreg:$0x1c];
	[sflag:s8] =	ssyncadd.s32 $0xFFFF3C00  }
0xb7: {  	[hbm4b:s7+s14] =	stream.strided.scatter [tilespmem:s9], [sflag:$0x2], $0xC400, s21, s14, $0x38;
	[tilespmem:$0xC480] =	vst v63  }
0xb8: {  	_ =	swait.ge [sflag:s13], $0xC400  }
0xb9: {  	s0 =	sadd.s32 $0xFFFFFFFF, s0;
	s1 =	rddreg [dreg:$0x3];
	[sflag:s13] =	ssyncset.done $0x0  }
0xba: {  	s9 =	simm.s32 $0x2080;
	s12 =	simm.s32 $0x2880;
	s7 =	simm.s32 $0x3080  }
0xbb: {  	s3 =	rddreg [dreg:$0x0];
	s6 =	simm.s32 $0xB080;
	s10 =	simm.s32 $0xA880  }
0xbc: {  	s11 =	simm.s32 $0xA080;
	s14 =	simm.s32 $0x9880;
	s15 =	simm.s32 $0xB880  }
0xbd: {  	s16 =	simm.s32 $0x9080;
	s17 =	simm.s32 $0x8880;
	s18 =	simm.s32 $0xC080  }
0xbe: {  	s19 =	simm.s32 $0x8080;
	s20 =	simm.s32 $0x400;
	s21 =	simm.s32 $0x7880  }
0xbf: {  	s22 =	simm.s32 $0x7080;
	s23 =	simm.s32 $0x6880;
	s24 =	simm.s32 $0x6080  }
0xc0: {  	s25 =	simm.s32 $0x5880;
	s26 =	simm.s32 $0x5080;
	s28 =	simm.s32 $0x4880  }
0xc1: {  	s29 =	simm.s32 $0x4080;
	s4 =	simm.s32 $0x3880;
	s30 =	simm.s32 $0x80  }
.LBB2_6:
0xc2: {  	[sflag:s13] =	ssyncadd.s32 @p0 $0xFFFF3C00  }
0xc3: {  	[tilespmem:s2], [sflag:$0x3] =	stream.linear.gather [hbm4b:s1+s2], $0x80, $0x38;
	[tilespmem:$0xC480] =	vst v63  }
0xc4: {  	_ =	swait.ge [sflag:s31], $0x80  }
0xc5: {  	[sflag:s31] =	ssyncset.done $0x0  }
0xc6: {  	[sflag:s31] =	ssyncadd.s32 $0xFFFFFF80  }
0xc7: {  	v2 =	vld.msk [tilespmem:$0x0], $0xf;
	_ =	sdelay $0x4  }
0xc8: {  	v3 =	vshrl.u32 v2, $0x3  }
0xc9: {  	v3 =	vmul.u32 $0x310, v3  }
0xca: {  	v2 =	vand.u32 $0x7, v2  }
0xcb: {  	v2 =	vor.u32 v2, v3  }
0xcc: {  	v0 =	vperm.xlane v2, v0;
	_ =	sdelay $0x1  }
0xcd: {  	v0 =	vadd.s32 v1, v0;
	_ =	sdelay $0x1  }
0xce: {  	s0 =	rddreg [dreg:$0x1d]  }
0xcf: {  	s1 =	rddreg [dreg:$0x1e]  }
0xd0: {  	s5 =	rddreg [dreg:$0x6]  }
0xd1: {  	[tilespmem:s30], [sflag:$0x1] =	stream.indirect_vreg.gather [hbm4b:s3+s2], $0x80, v0, vm0, $0xb8;
	[tilespmem:$0xC480] =	vst v63  }
0xd2: {  	s31 =	rddreg [dreg:$0x4]  }
0xd3: {  	[tilespmem:s0], [sflag:$0x1] =	stream.indirect_vreg.gather [hbm4b:s31+s2], $0x80, v0, vm0, $0xb8;
	[tilespmem:$0xC480] =	vst v63  }
0xd4: {  	s3 =	rddreg [dreg:$0x5]  }
0xd5: {  	[tilespmem:s1], [sflag:$0x1] =	stream.indirect_vreg.gather [hbm4b:s3+s2], $0x80, v0, vm0, $0xb8;
	[tilespmem:$0xC480] =	vst v63  }
0xd6: {  	s31 =	rddreg [dreg:$0x1f]  }
0xd7: {  	[tilespmem:s31], [sflag:$0x1] =	stream.indirect_vreg.gather [hbm4b:s5+s2], $0x80, v0, vm0, $0xb8;
	[tilespmem:$0xC480] =	vst v63  }
0xd8: {  	s1 =	rddreg [dreg:$0x7]  }
0xd9: {  	[tilespmem:s9], [sflag:$0x1] =	stream.indirect_vreg.gather [hbm4b:s1+s2], $0x80, v0, vm0, $0xb8;
	[tilespmem:$0xC480] =	vst v63  }
0xda: {  	s31 =	rddreg [dreg:$0x8]  }
0xdb: {  	[tilespmem:s12], [sflag:$0x1] =	stream.indirect_vreg.gather [hbm4b:s31+s2], $0x80, v0, vm0, $0xb8;
	[tilespmem:$0xC480] =	vst v63  }
0xdc: {  	s3 =	rddreg [dreg:$0x9]  }
0xdd: {  	[tilespmem:s7], [sflag:$0x1] =	stream.indirect_vreg.gather [hbm4b:s3+s2], $0x80, v0, vm0, $0xb8;
	[tilespmem:$0xC480] =	vst v63  }
0xde: {  	s5 =	rddreg [dreg:$0xa]  }
0xdf: {  	[tilespmem:s4], [sflag:$0x1] =	stream.indirect_vreg.gather [hbm4b:s5+s2], $0x80, v0, vm0, $0xb8;
	[tilespmem:$0xC480] =	vst v63  }
0xe0: {  	s9 =	rddreg [dreg:$0xb]  }
0xe1: {  	[tilespmem:s29], [sflag:$0x1] =	stream.indirect_vreg.gather [hbm4b:s9+s2], $0x80, v0, vm0, $0xb8;
	[tilespmem:$0xC480] =	vst v63  }
0xe2: {  	s12 =	rddreg [dreg:$0xc]  }
0xe3: {  	[tilespmem:s28], [sflag:$0x1] =	stream.indirect_vreg.gather [hbm4b:s12+s2], $0x80, v0, vm0, $0xb8;
	[tilespmem:$0xC480] =	vst v63  }
0xe4: {  	s29 =	rddreg [dreg:$0xd]  }
0xe5: {  	[tilespmem:s26], [sflag:$0x1] =	stream.indirect_vreg.gather [hbm4b:s29+s2], $0x80, v0, vm0, $0xb8;
	[tilespmem:$0xC480] =	vst v63  }
0xe6: {  	s31 =	rddreg [dreg:$0xe]  }
0xe7: {  	[tilespmem:s25], [sflag:$0x1] =	stream.indirect_vreg.gather [hbm4b:s31+s2], $0x80, v0, vm0, $0xb8;
	[tilespmem:$0xC480] =	vst v63  }
0xe8: {  	s3 =	rddreg [dreg:$0xf]  }
0xe9: {  	[tilespmem:s24], [sflag:$0x1] =	stream.indirect_vreg.gather [hbm4b:s3+s2], $0x80, v0, vm0, $0xb8;
	[tilespmem:$0xC480] =	vst v63  }
0xea: {  	s4 =	rddreg [dreg:$0x10]  }
0xeb: {  	[tilespmem:s23], [sflag:$0x1] =	stream.indirect_vreg.gather [hbm4b:s4+s2], $0x80, v0, vm0, $0xb8;
	[tilespmem:$0xC480] =	vst v63  }
0xec: {  	s5 =	rddreg [dreg:$0x11]  }
0xed: {  	[tilespmem:s22], [sflag:$0x1] =	stream.indirect_vreg.gather [hbm4b:s5+s2], $0x80, v0, vm0, $0xb8;
	[tilespmem:$0xC480] =	vst v63  }
0xee: {  	s7 =	rddreg [dreg:$0x12]  }
0xef: {  	[tilespmem:s21], [sflag:$0x1] =	stream.indirect_vreg.gather [hbm4b:s7+s2], $0x80, v0, vm0, $0xb8;
	[tilespmem:$0xC480] =	vst v63  }
0xf0: {  	s9 =	rddreg [dreg:$0x13]  }
0xf1: {  	[tilespmem:s19], [sflag:$0x1] =	stream.indirect_vreg.gather [hbm4b:s9+s2], $0x80, v0, vm0, $0xb8;
	[tilespmem:$0xC480] =	vst v63  }
0xf2: {  	s12 =	rddreg [dreg:$0x14]  }
0xf3: {  	[tilespmem:s17], [sflag:$0x1] =	stream.indirect_vreg.gather [hbm4b:s12+s2], $0x80, v0, vm0, $0xb8;
	[tilespmem:$0xC480] =	vst v63  }
0xf4: {  	s19 =	rddreg [dreg:$0x15]  }
0xf5: {  	[tilespmem:s16], [sflag:$0x1] =	stream.indirect_vreg.gather [hbm4b:s19+s2], $0x80, v0, vm0, $0xb8;
	[tilespmem:$0xC480] =	vst v63  }
0xf6: {  	s21 =	rddreg [dreg:$0x16]  }
0xf7: {  	[tilespmem:s14], [sflag:$0x1] =	stream.indirect_vreg.gather [hbm4b:s21+s2], $0x80, v0, vm0, $0xb8;
	[tilespmem:$0xC480] =	vst v63  }
0xf8: {  	s22 =	rddreg [dreg:$0x17]  }
0xf9: {  	[tilespmem:s11], [sflag:$0x1] =	stream.indirect_vreg.gather [hbm4b:s22+s2], $0x80, v0, vm0, $0xb8;
	[tilespmem:$0xC480] =	vst v63  }
0xfa: {  	s23 =	rddreg [dreg:$0x18]  }
0xfb: {  	[tilespmem:s10], [sflag:$0x1] =	stream.indirect_vreg.gather [hbm4b:s23+s2], $0x80, v0, vm0, $0xb8;
	[tilespmem:$0xC480] =	vst v63  }
0xfc: {  	s24 =	rddreg [dreg:$0x19]  }
0xfd: {  	[tilespmem:s6], [sflag:$0x1] =	stream.indirect_vreg.gather [hbm4b:s24+s2], $0x80, v0, vm0, $0xb8;
	[tilespmem:$0xC480] =	vst v63  }
0xfe: {  	s25 =	rddreg [dreg:$0x1a]  }
0xff: {  	[tilespmem:s15], [sflag:$0x1] =	stream.indirect_vreg.gather [hbm4b:s25+s2], $0x80, v0, vm0, $0xb8;
	[tilespmem:$0xC480] =	vst v63  }
0x100: {  	s26 =	rddreg [dreg:$0x1b]  }
0x101: {  	[tilespmem:s18], [sflag:$0x1] =	stream.indirect_vreg.gather [hbm4b:s26+s2], $0x80, v0, vm1, $0xb8;
	[tilespmem:$0xC480] =	vst v63  }
0x102: {  	_ =	swait.ge [sflag:s8], $0xC400  }
0x103: {  	[sflag:s8] =	ssyncset.done $0x0  }
0x104: {  	s29 =	simm.s32 $0x200;
	s28 =	rddreg [dreg:$0x1c];
	[sflag:s8] =	ssyncadd.s32 $0xFFFF3C00  }
0x105: {  	[hbm4b:s28+s29] =	stream.strided.scatter [tilespmem:s30], [sflag:$0x2], $0xC400, s20, s29, $0x38;
	[tilespmem:$0xC480] =	vst v63  }
0x106: {  	_ =	swait.ge [sflag:s13], $0xC400  }
0x107: {  	[sflag:s13] =	ssyncset.done $0x0  }
0x108: {  	[sflag:s13] =	ssyncadd.s32 $0xFFFF3C00  }
0x109: {  	_ =	sfence.sel $0x180000  }
0x10a: {  	[bflag:$0x0] =	sbarrier.arrive $0xFFFF  }
0x10b: {  	_ =	strace $0x9000004A  }
0x10c: {  	s31 =	stileid.u32;
	[bflag:$0x2] =	sbarrier.arrive $0xFFFF  }
0x10d: {  	p0 =	sne.s32 s31, $0x0;
	s0 =	rddreg [dreg:$0x2]  }
0x10e: {  	s0 =	sadd.s32 @!p0 $0x100000, s0  }
0x10f: {  	[sflag:s0] =	ssyncadd.tile.s32 @!p0 $0x1;
	_ =	shalt  }
.LBB2_1:
.Ltmp3:
0x110: {  	(pc) =	sbr.rel .LBB2_6-.Ltmp3, $2  }
0x111: {  	_ =	sdelay $0x2  }
0x112: {  	s9 =	simm.s32 $0x2080;
	s12 =	simm.s32 $0x2880;
	s7 =	simm.s32 $0x3080  }
.LBB2_3:
0x113: {  	s9 =	simm.s32 $0x2080  }
0x114: {  	s12 =	simm.s32 $0x2880;
	s7 =	simm.s32 $0x3080;
	s3 =	rddreg [dreg:$0x0]  }
0x115: {  	s6 =	simm.s32 $0xB080;
	s10 =	simm.s32 $0xA880;
	s11 =	simm.s32 $0xA080  }
0x116: {  	s14 =	simm.s32 $0x9880;
	s15 =	simm.s32 $0xB880;
	s16 =	simm.s32 $0x9080  }
.Ltmp4:
0x117: {  	s17 =	simm.s32 $0x8880;
	s18 =	simm.s32 $0xC080;
	(pc) =	sbr.rel .LBB2_6-.Ltmp4, $4  }
0x118: {  	s19 =	simm.s32 $0x8080;
	s20 =	simm.s32 $0x400;
	s21 =	simm.s32 $0x7880  }
0x119: {  	s22 =	simm.s32 $0x7080;
	s23 =	simm.s32 $0x6880;
	s24 =	simm.s32 $0x6080  }
0x11a: {  	s25 =	simm.s32 $0x5880;
	s26 =	simm.s32 $0x5080;
	s28 =	simm.s32 $0x4880  }
0x11b: {  	s29 =	simm.s32 $0x4080;
	s4 =	simm.s32 $0x3880;
	s30 =	simm.s32 $0x80  }
.Lfunc_end2:
_tile_overlayer_lowered:
.L_overlay_start_2:
0x11c: {  	(tag) =	ssettag $0x2  }
0x11d: {  	s0 =	rddreg [dreg:$0x0];
	s2 =	stileid.u32  }
0x11e: {  	s1 =	rddreg [dreg:$0x1];
	p0 =	sne.s32 s2, $0x0  }
0x11f: {  	s3 =	rddreg [dreg:$0x2];
	[bflag:$0x3] =	sbarrier.arrive $0xFFFF;
	s2 =	simm.s32 @!p0 $0x1C03  }
0x120: {  	[timem:s3], [sflag:s2] =	dma.local @!p0 [hbm:s0], s1  }
0x121: {  	s0 =	simm.s32 @!p0 $0x3  }
0x122: {  	_ =	swait.ge @!p0 [sflag:s0], s1  }
0x123: {  	s1 =	ssub.s32 @!p0 $0x0, s1;
	[sflag:s0] =	ssyncset.done @!p0 $0x0  }
0x124: {  	[sflag:s0] =	ssyncadd.s32 @!p0 s1  }
0x125: {  	[bflag:$0x3] =	sbarrier.arrive $0xFFFF  }
0x126: {  	_ =	shalt  }

</sc_bundles>
